<compile_context>
chip_gen: v7x
topology: tpu7x:2x2x1
jax: 0.10.2.dev20260603
libtpu: 0.0.44.dev20260713+nightly
codegen_flags: <defaults>
</compile_context>

<pallas_src>
import functools

import jax
import jax.numpy as jnp
from jax import lax
from jax.experimental import pallas as pl
from jax.experimental.pallas import tpu as pltpu
from jax.experimental.pallas import tpu_sc as plsc

N_NODES = 10000
E_EDGES = 320000
D = 128
G = 128

NC = 2
NS = 16
NW = NC * NS
N_PAD = 10240
RPT_ACC = N_PAD // NS
CHUNK = 128
EROWS = E_EDGES // CHUNK
BIG = 24
MAXR = 80

_MESH = plsc.VectorSubcoreMesh(core_axis_name="c", subcore_axis_name="s")


def _fill_1d(ref, n, val):
  def body(i, carry):
    ref[pl.ds(i * 16, 16)] = jnp.full((16,), val, jnp.float32)
    return carry
  lax.fori_loop(0, n // 16, body, 0)


def _zero_2d(ref, rows):
  def body(i, carry):
    for k in range(D // 16):
      ref[i, pl.ds(k * 16, 16)] = jnp.zeros((16,), jnp.float32)
    return carry
  lax.fori_loop(0, rows, body, 0)


def _edge_assign(wid):
  rbase = 8 * (wid * 9 + jnp.minimum(wid, BIG))
  ntot = jnp.where(wid < BIG, 80, jnp.where(wid == NW - 1, 76, 72))
  return rbase, ntot


def _preload_rows(ei3_hbm, which, rbase, wid, buf, sem):
  pltpu.async_copy(ei3_hbm.at[which, pl.ds(rbase, 72)],
                   buf.at[pl.ds(0, 72)], sem)

  @pl.when(wid < BIG)
  def _more8():
    pltpu.async_copy(ei3_hbm.at[which, pl.ds(rbase + 72, 8)],
                     buf.at[pl.ds(72, 8)], sem)

  @pl.when(wid == NW - 1)
  def _more4():
    pltpu.async_copy(ei3_hbm.at[which, pl.ds(rbase + 72, 4)],
                     buf.at[pl.ds(72, 4)], sem)


def _wait_rows(ei3_hbm, which, rbase, wid, buf, sem):
  pltpu.make_async_copy(ei3_hbm.at[which, pl.ds(rbase, 72)],
                        buf.at[pl.ds(0, 72)], sem).wait()

  @pl.when(wid < BIG)
  def _more8():
    pltpu.make_async_copy(ei3_hbm.at[which, pl.ds(rbase + 72, 8)],
                          buf.at[pl.ds(72, 8)], sem).wait()

  @pl.when(wid == NW - 1)
  def _more4():
    pltpu.make_async_copy(ei3_hbm.at[which, pl.ds(rbase + 72, 4)],
                          buf.at[pl.ds(72, 4)], sem).wait()


@functools.partial(
    pl.kernel,
    mesh=_MESH,
    out_type=jax.ShapeDtypeStruct((NC * N_PAD,), jnp.float32),
    scratch_types=[
        pltpu.VMEM((MAXR, CHUNK), jnp.int32),
        pltpu.VMEM((CHUNK,), jnp.float32),
        pltpu.VMEM((RPT_ACC,), jnp.float32),
        pltpu.VMEM_SHARED((N_PAD,), jnp.float32),
        pltpu.SemaphoreType.DMA,
        pltpu.SemaphoreType.DMA,
    ],
)
def _deg_kernel(ei3_hbm, out_hbm, didx, ones_v, buf_v, acc_sh, sem_i, sem_s):
  c = lax.axis_index("c")
  s = lax.axis_index("s")
  wid = c * NS + s
  rbase, ntot = _edge_assign(wid)
  _preload_rows(ei3_hbm, 1, rbase, wid, didx, sem_i)
  _fill_1d(ones_v, CHUNK, 1.0)
  _fill_1d(buf_v, RPT_ACC, 0.0)
  pltpu.sync_copy(buf_v, acc_sh.at[pl.ds(s * RPT_ACC, RPT_ACC)])
  _wait_rows(ei3_hbm, 1, rbase, wid, didx, sem_i)
  plsc.subcore_barrier()

  def fire(j, carry):
    pltpu.async_copy(ones_v, acc_sh.at[didx.at[j]], sem_s, add=True)
    return carry
  lax.fori_loop(0, ntot, fire, 0)

  def drain(j, carry):
    pltpu.make_async_copy(ones_v, acc_sh.at[didx.at[0]], sem_s).wait()
    return carry
  lax.fori_loop(0, ntot, drain, 0)

  plsc.subcore_barrier()
  pltpu.sync_copy(acc_sh.at[pl.ds(s * RPT_ACC, RPT_ACC)], buf_v)
  pltpu.sync_copy(buf_v,
                  out_hbm.at[pl.ds(c * N_PAD + s * RPT_ACC, RPT_ACC)])


PH_A = 56


@functools.partial(
    pl.kernel,
    mesh=_MESH,
    out_type=jax.ShapeDtypeStruct((NC, N_PAD, D), jnp.float32),
    scratch_types=[
        pltpu.VMEM((PH_A, CHUNK), jnp.int32),
        pltpu.VMEM((PH_A, CHUNK), jnp.int32),
        pltpu.VMEM((CHUNK, D), jnp.float32),
        pltpu.VMEM((CHUNK, D), jnp.float32),
        pltpu.VMEM_SHARED((N_PAD, D), jnp.float32),
        pltpu.SemaphoreType.DMA,
        pltpu.SemaphoreType.DMA,
        pltpu.SemaphoreType.DMA,
        pltpu.SemaphoreType.DMA,
    ],
)
def _msg_kernel(ei3_hbm, hp_hbm, out_hbm, sidx, didx, rows0, rows1,
                acc_sh, sem_i, sem_g0, sem_g1, sem_d):
  c = lax.axis_index("c")
  s = lax.axis_index("s")
  wid = c * NS + s
  rbase, ntot = _edge_assign(wid)
  rows = (rows0, rows1)
  sems = (sem_g0, sem_g1)

  def gather(j, b):
    pltpu.async_copy(hp_hbm.at[sidx.at[j]], rows[b], sems[b])

  def pipe(n, prefired):
    if not prefired:
      gather(0, 0)
      gather(1, 1)

    def step(j, b, fire):
      pltpu.make_async_copy(hp_hbm.at[sidx.at[j]], rows[b], sems[b]).wait()
      pltpu.sync_copy(rows[b], acc_sh.at[didx.at[j]], add=True)
      if fire:
        gather(j + 2, b)

    def outer(i, carry):
      step(2 * i, 0, True)
      step(2 * i + 1, 1, True)
      return carry
    lax.fori_loop(0, (n - 2) // 2, outer, 0)
    for b in range(2):
      step(n - 2 + b, b, False)

  pltpu.async_copy(ei3_hbm.at[0, pl.ds(rbase, PH_A)], sidx, sem_i)
  pltpu.async_copy(ei3_hbm.at[1, pl.ds(rbase, PH_A)], didx, sem_i)
  _zero_2d(rows0, CHUNK)
  r0 = s * RPT_ACC
  for k in range(RPT_ACC // CHUNK):
    pltpu.async_copy(rows0, acc_sh.at[pl.ds(r0 + k * CHUNK, CHUNK)], sem_d)
  for k in range(RPT_ACC // CHUNK):
    pltpu.make_async_copy(rows0, acc_sh.at[pl.ds(r0, CHUNK)], sem_d).wait()
  pltpu.make_async_copy(ei3_hbm.at[0, pl.ds(rbase, PH_A)], sidx, sem_i).wait()
  pltpu.make_async_copy(ei3_hbm.at[1, pl.ds(rbase, PH_A)], didx, sem_i).wait()
  gather(0, 0)
  gather(1, 1)
  plsc.subcore_barrier()

  pipe(PH_A, prefired=True)

  rb2 = rbase + PH_A
  pltpu.async_copy(ei3_hbm.at[0, pl.ds(rb2, 16)], sidx.at[pl.ds(0, 16)],
                   sem_i)
  pltpu.async_copy(ei3_hbm.at[1, pl.ds(rb2, 16)], didx.at[pl.ds(0, 16)],
                   sem_i)

  @pl.when(wid < BIG)
  def _more8():
    pltpu.sync_copy(ei3_hbm.at[0, pl.ds(rb2 + 16, 8)], sidx.at[pl.ds(16, 8)])
    pltpu.sync_copy(ei3_hbm.at[1, pl.ds(rb2 + 16, 8)], didx.at[pl.ds(16, 8)])

  @pl.when(wid == NW - 1)
  def _more4():
    pltpu.sync_copy(ei3_hbm.at[0, pl.ds(rb2 + 16, 4)], sidx.at[pl.ds(16, 4)])
    pltpu.sync_copy(ei3_hbm.at[1, pl.ds(rb2 + 16, 4)], didx.at[pl.ds(16, 4)])

  pltpu.make_async_copy(ei3_hbm.at[0, pl.ds(rb2, 16)], sidx.at[pl.ds(0, 16)],
                        sem_i).wait()
  pltpu.make_async_copy(ei3_hbm.at[1, pl.ds(rb2, 16)], didx.at[pl.ds(0, 16)],
                        sem_i).wait()
  pipe(ntot - PH_A, prefired=False)

  plsc.subcore_barrier()

  for k in range(RPT_ACC // CHUNK):
    b = k % 2
    if k >= 2:
      pltpu.make_async_copy(rows[b], out_hbm.at[c, pl.ds(0, CHUNK)],
                            sem_d).wait()
    pltpu.sync_copy(acc_sh.at[pl.ds(r0 + k * CHUNK, CHUNK)], rows[b])
    pltpu.async_copy(rows[b], out_hbm.at[c, pl.ds(r0 + k * CHUNK, CHUNK)],
                     sem_d)
  for b in range(2):
    pltpu.make_async_copy(rows[b], out_hbm.at[c, pl.ds(0, CHUNK)],
                          sem_d).wait()


def _k2_body(x_ref, w_ref, d0_ref, d1_ref, hp_ref, dinv_ref):
  h = jnp.dot(x_ref[...], w_ref[...],
              preferred_element_type=jnp.float32,
              precision=lax.Precision.HIGHEST)
  deg = d0_ref[...] + d1_ref[...] + 1.0
  dinv = lax.rsqrt(deg)
  hp_ref[...] = h * dinv.reshape(N_NODES, 1)
  dinv_ref[...] = dinv


def _k2_call(x, W1, d0, d1):
  return pl.pallas_call(
      _k2_body,
      out_shape=[
          jax.ShapeDtypeStruct((N_NODES, D), jnp.float32),
          jax.ShapeDtypeStruct((N_NODES,), jnp.float32),
      ],
  )(x, W1, d0, d1)


_R4 = 5000
_NB4 = N_NODES // _R4


def _k4_body(acc_ref, hp_ref, dinv_ref, batch_ref, b1_ref, wl_ref, bl_ref,
             out_ref, sums_sc, cnt_sc):
  i = pl.program_id(0)

  @pl.when(i == 0)
  def _init():
    sums_sc[...] = jnp.zeros_like(sums_sc)
    cnt_sc[...] = jnp.zeros_like(cnt_sc)

  acc = acc_ref[0] + acc_ref[1]
  dinv = dinv_ref[pl.ds(i, 1), :]
  node = dinv.reshape(_R4, 1) * (acc + hp_ref[...])
  node = jnp.maximum(node + b1_ref[...], 0.0)
  onehot_t = (batch_ref[pl.ds(i, 1), :] ==
              lax.broadcasted_iota(jnp.int32, (G, 1), 0)).astype(jnp.float32)
  sums_sc[...] += lax.dot_general(
      onehot_t, node, (((1,), (0,)), ((), ())),
      preferred_element_type=jnp.float32, precision=lax.Precision.HIGHEST)
  cnt_sc[...] += lax.dot_general(
      onehot_t, jnp.ones((_R4, 1), jnp.float32), (((1,), (0,)), ((), ())),
      preferred_element_type=jnp.float32, precision=lax.Precision.HIGHEST)

  @pl.when(i == _NB4 - 1)
  def _fin():
    pooled = sums_sc[...] / jnp.maximum(cnt_sc[...], 1.0)
    out_ref[...] = jnp.dot(pooled, wl_ref[...],
                           preferred_element_type=jnp.float32,
                           precision=lax.Precision.HIGHEST) + bl_ref[...]


def _k4_call(acc, hp, dinv, batch1d, b1, Wl, bl):
  return pl.pallas_call(
      _k4_body,
      grid=(_NB4,),
      in_specs=[
          pl.BlockSpec((NC, _R4, D), lambda i: (0, i, 0)),
          pl.BlockSpec((_R4, D), lambda i: (i, 0)),
          pl.BlockSpec((_NB4, _R4), lambda i: (0, 0)),
          pl.BlockSpec((_NB4, _R4), lambda i: (0, 0)),
          pl.BlockSpec((1, D), lambda i: (0, 0)),
          pl.BlockSpec((D, D), lambda i: (0, 0)),
          pl.BlockSpec((1, D), lambda i: (0, 0)),
      ],
      out_specs=pl.BlockSpec((G, D), lambda i: (0, 0)),
      out_shape=jax.ShapeDtypeStruct((G, D), jnp.float32),
      scratch_shapes=[
          pltpu.VMEM((G, D), jnp.float32),
          pltpu.VMEM((G, 1), jnp.float32),
      ],
      compiler_params=pltpu.CompilerParams(
          dimension_semantics=("arbitrary",)),
  )(acc, hp, dinv.reshape(_NB4, _R4), batch1d.reshape(_NB4, _R4),
    b1, Wl, bl)


@jax.jit
def kernel(x, edge_index, batch, W1, b1, Wl, bl):
  ei3 = edge_index.reshape(2, EROWS, CHUNK)
  deg_flat = _deg_kernel(ei3)
  d0 = deg_flat[:N_NODES]
  d1 = deg_flat[N_PAD:N_PAD + N_NODES]
  hp, dinv = _k2_call(x, W1, d0, d1)
  acc = _msg_kernel(ei3, hp)
  out = _k4_call(acc, hp, dinv, batch,
                 b1.reshape(1, D), Wl, bl.reshape(1, D))
  return out

# --- scband reference (transcript-rebuilt; emitter-appended) ---
"""Pipeline reference for scband-gcn-24395414242126 (READ-ONLY COPY).

The authoritative reference and input builder live on the scoring server;
editing this copy changes nothing except your own understanding.
"""

import jax, jax.numpy as jnp
import numpy as np

N = 10000
E = 320000
D = 128
G = 128

def setup_inputs(seed: int = 0):
    key = jax.random.key(seed)
    ks = jax.random.split(key, 8)
    x = jax.random.normal(ks[0], (N, D), dtype=jnp.float32)
    edge_index = jax.random.randint(ks[1], (2, E), 0, N, dtype=jnp.int32)
    batch = jnp.sort(jax.random.randint(ks[2], (N,), 0, G, dtype=jnp.int32))
    W1 = jax.random.normal(ks[3], (D, D), dtype=jnp.float32) * 0.05
    b1 = jnp.zeros((D,), dtype=jnp.float32)
    Wl = jax.random.normal(ks[4], (D, D), dtype=jnp.float32) * 0.05
    bl = jnp.zeros((D,), dtype=jnp.float32)
    return {"x": x, "edge_index": edge_index, "batch": batch, "W1": W1, "b1": b1, "Wl": Wl, "bl": bl}

def reference(x, edge_index, batch, W1, b1, Wl, bl):
    # GCNConv (PyG semantics): add self-loops, symmetric normalization D^-1/2 (A+I) D^-1/2 X W + b
    src = edge_index[0]
    dst = edge_index[1]
    loop = jnp.arange(N, dtype=src.dtype)
    src_f = jnp.concatenate([src, loop])
    dst_f = jnp.concatenate([dst, loop])
    h = x @ W1
    deg = jax.ops.segment_sum(jnp.ones_like(dst_f, dtype=h.dtype), dst_f, num_segments=N)
    dinv = jnp.where(deg > 0, deg ** -0.5, 0.0)
    norm = dinv[src_f] * dinv[dst_f]
    msg = h[src_f] * norm[:, None]
    h = jax.ops.segment_sum(msg, dst_f, num_segments=N) + b1
    h = jax.nn.relu(h)
    # global_mean_pool over graph assignment `batch`
    sums = jax.ops.segment_sum(h, batch, num_segments=G)
    cnt = jax.ops.segment_sum(jnp.ones((N,), dtype=h.dtype), batch, num_segments=G)
    pooled = sums / jnp.clip(cnt, 1.0)[:, None]
    # F.dropout with training=False (eval mode) -> identity
    out = pooled @ Wl + bl
    return out

if __name__ == "__main__":
    import jax
    _d = setup_inputs()
    print(jax.jit(kernel)(*tuple(_d.values())))

</pallas_src>

<mosaic_0001>
#map = affine_map<(d0, d1) -> (0, 0, 0)>
#map1 = affine_map<(d0, d1) -> (0)>
module attributes {stable_mosaic.version = 14 : i64} {
  func.func @_deg_kernel(%arg0: i32, %arg1: i32, %arg2: memref<2x2500x128xi32, #tpu.memory_space<hbm>>, %arg3: memref<20480xf32, #tpu.memory_space<hbm>>, %arg4: memref<80x128xi32, #tpu.memory_space<vmem>>, %arg5: memref<128xf32, #tpu.memory_space<vmem>>, %arg6: memref<640xf32, #tpu.memory_space<vmem>>, %arg7: memref<10240xf32, #tpu.memory_space<vmem_shared>>, %arg8: memref<!tpu.dma_semaphore, #tpu.memory_space<semaphore_mem>>, %arg9: memref<!tpu.dma_semaphore, #tpu.memory_space<semaphore_mem>>) attributes {dimension_semantics = [#tpu.dimension_semantics<core_parallel>, #tpu.dimension_semantics<subcore_parallel>], iteration_bounds = array<i64: 2, 16>, scalar_prefetch = 0 : i64, scratch_operands = 6 : i64, tpu.core_type = #tpu.core_type<sc_vector_subcore>, window_params = [{transform_indices = #map}, {transform_indices = #map1}]} {
    %mul3A = arith.constant 16 : i32
    %mul3A_0 = arith.muli %arg0, %mul3A : i32
    %add3A = arith.addi %mul3A_0, %arg1 : i32
    %mul3A_1 = arith.constant 9 : i32
    %mul3A_2 = arith.muli %add3A, %mul3A_1 : i32
    %min3A = arith.constant 24 : i32
    %min3A_3 = arith.minsi %add3A, %min3A : i32
    %add3A_4 = arith.addi %mul3A_2, %min3A_3 : i32
    %mul3A_5 = arith.constant 8 : i32
    %mul3A_6 = arith.muli %mul3A_5, %add3A_4 : i32
    %lt3A = arith.constant 24 : i32
    %lt3A_7 = arith.cmpi slt, %add3A, %lt3A : i32
    %eq3A = arith.constant 31 : i32
    %eq3A_8 = arith.cmpi eq, %add3A, %eq3A : i32
    %jit3A = arith.constant 76 : i32
    %jit3A_9 = arith.constant 72 : i32
    %select_n3A = arith.select %eq3A_8, %jit3A, %jit3A_9 : i32
    %jit3A_10 = arith.constant 80 : i32
    %select_n3A_11 = arith.select %lt3A_7, %jit3A_10, %select_n3A : i32
    %dma_start3A = arith.constant 1 : i32
    %dma_start3A_12 = arith.constant 0 : i32
    %dma_start3A_13 = arith.constant 0 : i32
    %dma_start3A_14 = tpu.memref_slice %arg4[%dma_start3A_12, %dma_start3A_13] : memref<80x128xi32, #tpu.memory_space<vmem>> -> memref<72x128xi32, #tpu.memory_space<vmem>>
    %dma_start3A_15 = arith.constant 0 : i32
    %dma_start3A_16 = tpu.memref_slice %arg2[%dma_start3A, %mul3A_6, %dma_start3A_15] : memref<2x2500x128xi32, #tpu.memory_space<hbm>> -> memref<1x72x128xi32, #tpu.memory_space<hbm>>
    %dma_start3A_17 = tpu.memref_squeeze %dma_start3A_16 : memref<1x72x128xi32, #tpu.memory_space<hbm>> -> memref<72x128xi32, #tpu.memory_space<hbm>>
    %dma_start3A_18 = arith.constant 0 : i32
    %dma_start3A_19 = arith.constant 0 : i32
    %dma_start3A_20 = tpu.memref_slice %arg4[%dma_start3A_18, %dma_start3A_19] : memref<80x128xi32, #tpu.memory_space<vmem>> -> memref<72x128xi32, #tpu.memory_space<vmem>>
    %dma_start3A_21 = arith.constant 0 : i32
    %dma_start3A_22 = tpu.memref_slice %arg2[%dma_start3A, %mul3A_6, %dma_start3A_21] : memref<2x2500x128xi32, #tpu.memory_space<hbm>> -> memref<1x72x128xi32, #tpu.memory_space<hbm>>
    %dma_start3A_23 = tpu.memref_squeeze %dma_start3A_22 : memref<1x72x128xi32, #tpu.memory_space<hbm>> -> memref<72x128xi32, #tpu.memory_space<hbm>>
    tpu.enqueue_dma source(%dma_start3A_23 : memref<72x128xi32, #tpu.memory_space<hbm>>) target(%dma_start3A_20 : memref<72x128xi32, #tpu.memory_space<vmem>>) target_semaphore(%arg8 : memref<!tpu.dma_semaphore, #tpu.memory_space<semaphore_mem>>)
    %lt3A_24 = arith.constant 24 : i32
    %lt3A_25 = arith.cmpi slt, %add3A, %lt3A_24 : i32
    %convert_element_type3A = arith.extui %lt3A_25 : i1 to i32
    %cond3A = arith.constant 0 : i32
    %cond3A_26 = arith.cmpi ne, %convert_element_type3A, %cond3A : i32
    scf.if %cond3A_26 {
      %add3A_94 = arith.constant 72 : i32
      %add3A_95 = arith.addi %mul3A_6, %add3A_94 : i32
      %dma_start3A_96 = arith.constant 1 : i32
      %dma_start3A_97 = arith.constant 72 : i32
      %dma_start3A_98 = arith.constant 0 : i32
      %dma_start3A_99 = tpu.memref_slice %arg4[%dma_start3A_97, %dma_start3A_98] : memref<80x128xi32, #tpu.memory_space<vmem>> -> memref<8x128xi32, #tpu.memory_space<vmem>>
      %dma_start3A_100 = arith.constant 0 : i32
      %dma_start3A_101 = tpu.memref_slice %arg2[%dma_start3A_96, %add3A_95, %dma_start3A_100] : memref<2x2500x128xi32, #tpu.memory_space<hbm>> -> memref<1x8x128xi32, #tpu.memory_space<hbm>>
      %dma_start3A_102 = tpu.memref_squeeze %dma_start3A_101 : memref<1x8x128xi32, #tpu.memory_space<hbm>> -> memref<8x128xi32, #tpu.memory_space<hbm>>
      %dma_start3A_103 = arith.constant 72 : i32
      %dma_start3A_104 = arith.constant 0 : i32
      %dma_start3A_105 = tpu.memref_slice %arg4[%dma_start3A_103, %dma_start3A_104] : memref<80x128xi32, #tpu.memory_space<vmem>> -> memref<8x128xi32, #tpu.memory_space<vmem>>
      %dma_start3A_106 = arith.constant 0 : i32
      %dma_start3A_107 = tpu.memref_slice %arg2[%dma_start3A_96, %add3A_95, %dma_start3A_106] : memref<2x2500x128xi32, #tpu.memory_space<hbm>> -> memref<1x8x128xi32, #tpu.memory_space<hbm>>
      %dma_start3A_108 = tpu.memref_squeeze %dma_start3A_107 : memref<1x8x128xi32, #tpu.memory_space<hbm>> -> memref<8x128xi32, #tpu.memory_space<hbm>>
      tpu.enqueue_dma source(%dma_start3A_108 : memref<8x128xi32, #tpu.memory_space<hbm>>) target(%dma_start3A_105 : memref<8x128xi32, #tpu.memory_space<vmem>>) target_semaphore(%arg8 : memref<!tpu.dma_semaphore, #tpu.memory_space<semaphore_mem>>)
    } else {
    }
    %eq3A_27 = arith.constant 31 : i32
    %eq3A_28 = arith.cmpi eq, %add3A, %eq3A_27 : i32
    %convert_element_type3A_29 = arith.extui %eq3A_28 : i1 to i32
    %cond3A_30 = arith.constant 0 : i32
    %cond3A_31 = arith.cmpi ne, %convert_element_type3A_29, %cond3A_30 : i32
    scf.if %cond3A_31 {
      %add3A_94 = arith.constant 72 : i32
      %add3A_95 = arith.addi %mul3A_6, %add3A_94 : i32
      %dma_start3A_96 = arith.constant 1 : i32
      %dma_start3A_97 = arith.constant 72 : i32
      %dma_start3A_98 = arith.constant 0 : i32
      %dma_start3A_99 = tpu.memref_slice %arg4[%dma_start3A_97, %dma_start3A_98] : memref<80x128xi32, #tpu.memory_space<vmem>> -> memref<4x128xi32, #tpu.memory_space<vmem>>
      %dma_start3A_100 = arith.constant 0 : i32
      %dma_start3A_101 = tpu.memref_slice %arg2[%dma_start3A_96, %add3A_95, %dma_start3A_100] : memref<2x2500x128xi32, #tpu.memory_space<hbm>> -> memref<1x4x128xi32, #tpu.memory_space<hbm>>
      %dma_start3A_102 = tpu.memref_squeeze %dma_start3A_101 : memref<1x4x128xi32, #tpu.memory_space<hbm>> -> memref<4x128xi32, #tpu.memory_space<hbm>>
      %dma_start3A_103 = arith.constant 72 : i32
      %dma_start3A_104 = arith.constant 0 : i32
      %dma_start3A_105 = tpu.memref_slice %arg4[%dma_start3A_103, %dma_start3A_104] : memref<80x128xi32, #tpu.memory_space<vmem>> -> memref<4x128xi32, #tpu.memory_space<vmem>>
      %dma_start3A_106 = arith.constant 0 : i32
      %dma_start3A_107 = tpu.memref_slice %arg2[%dma_start3A_96, %add3A_95, %dma_start3A_106] : memref<2x2500x128xi32, #tpu.memory_space<hbm>> -> memref<1x4x128xi32, #tpu.memory_space<hbm>>
      %dma_start3A_108 = tpu.memref_squeeze %dma_start3A_107 : memref<1x4x128xi32, #tpu.memory_space<hbm>> -> memref<4x128xi32, #tpu.memory_space<hbm>>
      tpu.enqueue_dma source(%dma_start3A_108 : memref<4x128xi32, #tpu.memory_space<hbm>>) target(%dma_start3A_105 : memref<4x128xi32, #tpu.memory_space<vmem>>) target_semaphore(%arg8 : memref<!tpu.dma_semaphore, #tpu.memory_space<semaphore_mem>>)
    } else {
    }
    %scan3A = arith.constant 0 : i32
    %scan3A_32 = arith.constant 0 : i32
    %scan3A_33 = arith.constant 8 : i32
    %scan3A_34 = arith.addi %scan3A_32, %scan3A_33 : i32
    %scan3A_35 = arith.constant 1 : i32
    scf.for %scan3A_94 = %scan3A_32 to %scan3A_34 step %scan3A_35  : i32 {
      %broadcast_in_dim3A = arith.constant 1.000000e+00 : f32
      %broadcast_in_dim3A_95 = vector.broadcast %broadcast_in_dim3A : f32 to vector<16xf32>
      %mul3A_96 = arith.constant 16 : i32
      %mul3A_97 = arith.muli %scan3A_94, %mul3A_96 : i32
      %swap3A = arith.index_cast %mul3A_97 : i32 to index
      %swap3A_98 = tpu.vector_load %arg5[%swap3A] {strides = array<i32>} : memref<128xf32, #tpu.memory_space<vmem>>, vector<16xf32>,
      %swap3A_99 = vector.shape_cast %swap3A_98 : vector<16xf32> to vector<16xf32>
      %swap3A_100 = vector.shape_cast %broadcast_in_dim3A_95 : vector<16xf32> to vector<16xf32>
      tpu.vector_store %arg5[%swap3A], %swap3A_100 {strides = array<i32>} : memref<128xf32, #tpu.memory_space<vmem>>, vector<16xf32>,
    }
    %scan3A_36 = arith.constant 8 : i32
    %scan3A_37 = arith.constant 0 : i32
    %scan3A_38 = arith.constant 0 : i32
    %scan3A_39 = arith.constant 40 : i32
    %scan3A_40 = arith.addi %scan3A_38, %scan3A_39 : i32
    %scan3A_41 = arith.constant 1 : i32
    scf.for %scan3A_94 = %scan3A_38 to %scan3A_40 step %scan3A_41  : i32 {
      %broadcast_in_dim3A = arith.constant 0.000000e+00 : f32
      %broadcast_in_dim3A_95 = vector.broadcast %broadcast_in_dim3A : f32 to vector<16xf32>
      %mul3A_96 = arith.constant 16 : i32
      %mul3A_97 = arith.muli %scan3A_94, %mul3A_96 : i32
      %swap3A = arith.index_cast %mul3A_97 : i32 to index
      %swap3A_98 = tpu.vector_load %arg6[%swap3A] {strides = array<i32>} : memref<640xf32, #tpu.memory_space<vmem>>, vector<16xf32>,
      %swap3A_99 = vector.shape_cast %swap3A_98 : vector<16xf32> to vector<16xf32>
      %swap3A_100 = vector.shape_cast %broadcast_in_dim3A_95 : vector<16xf32> to vector<16xf32>
      tpu.vector_store %arg6[%swap3A], %swap3A_100 {strides = array<i32>} : memref<640xf32, #tpu.memory_space<vmem>>, vector<16xf32>,
    }
    %scan3A_42 = arith.constant 40 : i32
    %mul3A_43 = arith.constant 640 : i32
    %mul3A_44 = arith.muli %arg1, %mul3A_43 : i32
    "tpu.region"() ({
      %run_scoped3A = tpu.sem_alloc : memref<!tpu.dma_semaphore, #tpu.memory_space<semaphore_mem>>
      %dma_start3A_94 = tpu.memref_slice %arg7[%mul3A_44] : memref<10240xf32, #tpu.memory_space<vmem_shared>> -> memref<640xf32, #tpu.memory_space<vmem_shared>>
      %dma_start3A_95 = tpu.memref_slice %arg7[%mul3A_44] : memref<10240xf32, #tpu.memory_space<vmem_shared>> -> memref<640xf32, #tpu.memory_space<vmem_shared>>
      tpu.enqueue_dma source(%arg6 : memref<640xf32, #tpu.memory_space<vmem>>) target(%dma_start3A_95 : memref<640xf32, #tpu.memory_space<vmem_shared>>) target_semaphore(%run_scoped3A : memref<!tpu.dma_semaphore, #tpu.memory_space<semaphore_mem>>)
      %dma_wait3A_96 = tpu.memref_slice %arg7[%mul3A_44] : memref<10240xf32, #tpu.memory_space<vmem_shared>> -> memref<640xf32, #tpu.memory_space<vmem_shared>>
      %dma_wait3A_97 = tpu.memref_slice %arg7[%mul3A_44] : memref<10240xf32, #tpu.memory_space<vmem_shared>> -> memref<640xf32, #tpu.memory_space<vmem_shared>>
      tpu.wait_dma2 semaphore(%run_scoped3A : memref<!tpu.dma_semaphore, #tpu.memory_space<semaphore_mem>>) src(%arg6 : memref<640xf32, #tpu.memory_space<vmem>>) dst(%dma_wait3A_97 : memref<640xf32, #tpu.memory_space<vmem_shared>>)
      tpu.yield
    }) : () -> ()
    %dma_wait3A = arith.constant 1 : i32
    %dma_wait3A_45 = arith.constant 0 : i32
    %dma_wait3A_46 = arith.constant 0 : i32
    %dma_wait3A_47 = tpu.memref_slice %arg4[%dma_wait3A_45, %dma_wait3A_46] : memref<80x128xi32, #tpu.memory_space<vmem>> -> memref<72x128xi32, #tpu.memory_space<vmem>>
    %dma_wait3A_48 = arith.constant 0 : i32
    %dma_wait3A_49 = tpu.memref_slice %arg2[%dma_wait3A, %mul3A_6, %dma_wait3A_48] : memref<2x2500x128xi32, #tpu.memory_space<hbm>> -> memref<1x72x128xi32, #tpu.memory_space<hbm>>
    %dma_wait3A_50 = tpu.memref_squeeze %dma_wait3A_49 : memref<1x72x128xi32, #tpu.memory_space<hbm>> -> memref<72x128xi32, #tpu.memory_space<hbm>>
    %dma_wait3A_51 = arith.constant 0 : i32
    %dma_wait3A_52 = arith.constant 0 : i32
    %dma_wait3A_53 = tpu.memref_slice %arg4[%dma_wait3A_51, %dma_wait3A_52] : memref<80x128xi32, #tpu.memory_space<vmem>> -> memref<72x128xi32, #tpu.memory_space<vmem>>
    %dma_wait3A_54 = arith.constant 0 : i32
    %dma_wait3A_55 = tpu.memref_slice %arg2[%dma_wait3A, %mul3A_6, %dma_wait3A_54] : memref<2x2500x128xi32, #tpu.memory_space<hbm>> -> memref<1x72x128xi32, #tpu.memory_space<hbm>>
    %dma_wait3A_56 = tpu.memref_squeeze %dma_wait3A_55 : memref<1x72x128xi32, #tpu.memory_space<hbm>> -> memref<72x128xi32, #tpu.memory_space<hbm>>
    tpu.wait_dma2 semaphore(%arg8 : memref<!tpu.dma_semaphore, #tpu.memory_space<semaphore_mem>>) src(%dma_wait3A_56 : memref<72x128xi32, #tpu.memory_space<hbm>>) dst(%dma_wait3A_53 : memref<72x128xi32, #tpu.memory_space<vmem>>)
    %lt3A_57 = arith.constant 24 : i32
    %lt3A_58 = arith.cmpi slt, %add3A, %lt3A_57 : i32
    %convert_element_type3A_59 = arith.extui %lt3A_58 : i1 to i32
    %cond3A_60 = arith.constant 0 : i32
    %cond3A_61 = arith.cmpi ne, %convert_element_type3A_59, %cond3A_60 : i32
    scf.if %cond3A_61 {
      %add3A_94 = arith.constant 72 : i32
      %add3A_95 = arith.addi %mul3A_6, %add3A_94 : i32
      %dma_wait3A_96 = arith.constant 1 : i32
      %dma_wait3A_97 = arith.constant 72 : i32
      %dma_wait3A_98 = arith.constant 0 : i32
      %dma_wait3A_99 = tpu.memref_slice %arg4[%dma_wait3A_97, %dma_wait3A_98] : memref<80x128xi32, #tpu.memory_space<vmem>> -> memref<8x128xi32, #tpu.memory_space<vmem>>
      %dma_wait3A_100 = arith.constant 0 : i32
      %dma_wait3A_101 = tpu.memref_slice %arg2[%dma_wait3A_96, %add3A_95, %dma_wait3A_100] : memref<2x2500x128xi32, #tpu.memory_space<hbm>> -> memref<1x8x128xi32, #tpu.memory_space<hbm>>
      %dma_wait3A_102 = tpu.memref_squeeze %dma_wait3A_101 : memref<1x8x128xi32, #tpu.memory_space<hbm>> -> memref<8x128xi32, #tpu.memory_space<hbm>>
      %dma_wait3A_103 = arith.constant 72 : i32
      %dma_wait3A_104 = arith.constant 0 : i32
      %dma_wait3A_105 = tpu.memref_slice %arg4[%dma_wait3A_103, %dma_wait3A_104] : memref<80x128xi32, #tpu.memory_space<vmem>> -> memref<8x128xi32, #tpu.memory_space<vmem>>
      %dma_wait3A_106 = arith.constant 0 : i32
      %dma_wait3A_107 = tpu.memref_slice %arg2[%dma_wait3A_96, %add3A_95, %dma_wait3A_106] : memref<2x2500x128xi32, #tpu.memory_space<hbm>> -> memref<1x8x128xi32, #tpu.memory_space<hbm>>
      %dma_wait3A_108 = tpu.memref_squeeze %dma_wait3A_107 : memref<1x8x128xi32, #tpu.memory_space<hbm>> -> memref<8x128xi32, #tpu.memory_space<hbm>>
      tpu.wait_dma2 semaphore(%arg8 : memref<!tpu.dma_semaphore, #tpu.memory_space<semaphore_mem>>) src(%dma_wait3A_108 : memref<8x128xi32, #tpu.memory_space<hbm>>) dst(%dma_wait3A_105 : memref<8x128xi32, #tpu.memory_space<vmem>>)
    } else {
    }
    %eq3A_62 = arith.constant 31 : i32
    %eq3A_63 = arith.cmpi eq, %add3A, %eq3A_62 : i32
    %convert_element_type3A_64 = arith.extui %eq3A_63 : i1 to i32
    %cond3A_65 = arith.constant 0 : i32
    %cond3A_66 = arith.cmpi ne, %convert_element_type3A_64, %cond3A_65 : i32
    scf.if %cond3A_66 {
      %add3A_94 = arith.constant 72 : i32
      %add3A_95 = arith.addi %mul3A_6, %add3A_94 : i32
      %dma_wait3A_96 = arith.constant 1 : i32
      %dma_wait3A_97 = arith.constant 72 : i32
      %dma_wait3A_98 = arith.constant 0 : i32
      %dma_wait3A_99 = tpu.memref_slice %arg4[%dma_wait3A_97, %dma_wait3A_98] : memref<80x128xi32, #tpu.memory_space<vmem>> -> memref<4x128xi32, #tpu.memory_space<vmem>>
      %dma_wait3A_100 = arith.constant 0 : i32
      %dma_wait3A_101 = tpu.memref_slice %arg2[%dma_wait3A_96, %add3A_95, %dma_wait3A_100] : memref<2x2500x128xi32, #tpu.memory_space<hbm>> -> memref<1x4x128xi32, #tpu.memory_space<hbm>>
      %dma_wait3A_102 = tpu.memref_squeeze %dma_wait3A_101 : memref<1x4x128xi32, #tpu.memory_space<hbm>> -> memref<4x128xi32, #tpu.memory_space<hbm>>
      %dma_wait3A_103 = arith.constant 72 : i32
      %dma_wait3A_104 = arith.constant 0 : i32
      %dma_wait3A_105 = tpu.memref_slice %arg4[%dma_wait3A_103, %dma_wait3A_104] : memref<80x128xi32, #tpu.memory_space<vmem>> -> memref<4x128xi32, #tpu.memory_space<vmem>>
      %dma_wait3A_106 = arith.constant 0 : i32
      %dma_wait3A_107 = tpu.memref_slice %arg2[%dma_wait3A_96, %add3A_95, %dma_wait3A_106] : memref<2x2500x128xi32, #tpu.memory_space<hbm>> -> memref<1x4x128xi32, #tpu.memory_space<hbm>>
      %dma_wait3A_108 = tpu.memref_squeeze %dma_wait3A_107 : memref<1x4x128xi32, #tpu.memory_space<hbm>> -> memref<4x128xi32, #tpu.memory_space<hbm>>
      tpu.wait_dma2 semaphore(%arg8 : memref<!tpu.dma_semaphore, #tpu.memory_space<semaphore_mem>>) src(%dma_wait3A_108 : memref<4x128xi32, #tpu.memory_space<hbm>>) dst(%dma_wait3A_105 : memref<4x128xi32, #tpu.memory_space<vmem>>)
    } else {
    }
    %barrier3A = arith.constant 0 : index
    tpu.barrier barrier_id(%barrier3A)
    %while3A = arith.constant 0 : i32
    %while3A_67 = arith.constant 0 : i32
    %while3A_68 = arith.subi %select_n3A_11, %while3A_67 : i32
    %while3A_69 = arith.addi %while3A_67, %while3A_68 : i32
    %while3A_70 = arith.constant 1 : i32
    %while3A_71 = arith.divsi %while3A_68, %while3A_70 : i32
    %while3A_72 = arith.muli %while3A_71, %while3A_70 : i32
    %while3A_73 = arith.addi %while3A_67, %while3A_72 : i32
    %while3A_74 = arith.constant 1 : i32
    scf.for %while3A_94 = %while3A_67 to %while3A_73 step %while3A_74  : i32 {
      %dma_start3A_95 = arith.constant 0 : i32
      %dma_start3A_96 = tpu.memref_slice %arg4[%while3A_94, %dma_start3A_95] : memref<80x128xi32, #tpu.memory_space<vmem>> -> memref<1x128xi32, #tpu.memory_space<vmem>>
      %dma_start3A_97 = tpu.memref_squeeze %dma_start3A_96 : memref<1x128xi32, #tpu.memory_space<vmem>> -> memref<128xi32, #tpu.memory_space<vmem>>
      %dma_start3A_98 = arith.constant 0 : i32
      %dma_start3A_99 = tpu.memref_slice %arg7[%dma_start3A_98] : memref<10240xf32, #tpu.memory_space<vmem_shared>> -> memref<10240xf32, #tpu.memory_space<vmem_shared>>
      tpu.enqueue_indirect_dma source(%arg5 : memref<128xf32, #tpu.memory_space<vmem>>) target(%dma_start3A_99 : memref<10240xf32, #tpu.memory_space<vmem_shared>>) offsets(%dma_start3A_97 : memref<128xi32, #tpu.memory_space<vmem>>) semaphore(%arg9 : memref<!tpu.dma_semaphore, #tpu.memory_space<semaphore_mem>>) {add = true}
    }
    %while3A_75 = arith.constant 1 : i32
    scf.for %while3A_94 = %while3A_73 to %while3A_69 step %while3A_75  : i32 {
      %dma_start3A_95 = arith.constant 0 : i32
      %dma_start3A_96 = tpu.memref_slice %arg4[%while3A_94, %dma_start3A_95] : memref<80x128xi32, #tpu.memory_space<vmem>> -> memref<1x128xi32, #tpu.memory_space<vmem>>
      %dma_start3A_97 = tpu.memref_squeeze %dma_start3A_96 : memref<1x128xi32, #tpu.memory_space<vmem>> -> memref<128xi32, #tpu.memory_space<vmem>>
      %dma_start3A_98 = arith.constant 0 : i32
      %dma_start3A_99 = tpu.memref_slice %arg7[%dma_start3A_98] : memref<10240xf32, #tpu.memory_space<vmem_shared>> -> memref<10240xf32, #tpu.memory_space<vmem_shared>>
      tpu.enqueue_indirect_dma source(%arg5 : memref<128xf32, #tpu.memory_space<vmem>>) target(%dma_start3A_99 : memref<10240xf32, #tpu.memory_space<vmem_shared>>) offsets(%dma_start3A_97 : memref<128xi32, #tpu.memory_space<vmem>>) semaphore(%arg9 : memref<!tpu.dma_semaphore, #tpu.memory_space<semaphore_mem>>) {add = true}
    }
    %while3A_76 = arith.constant 0 : i32
    %while3A_77 = arith.constant 0 : i32
    %while3A_78 = arith.subi %select_n3A_11, %while3A_77 : i32
    %while3A_79 = arith.addi %while3A_77, %while3A_78 : i32
    %while3A_80 = arith.constant 1 : i32
    %while3A_81 = arith.divsi %while3A_78, %while3A_80 : i32
    %while3A_82 = arith.muli %while3A_81, %while3A_80 : i32
    %while3A_83 = arith.addi %while3A_77, %while3A_82 : i32
    %while3A_84 = arith.constant 1 : i32
    scf.for %while3A_94 = %while3A_77 to %while3A_83 step %while3A_84  : i32 {
      %dma_wait3A_95 = arith.constant 0 : i32
      %dma_wait3A_96 = arith.constant 0 : i32
      %dma_wait3A_97 = tpu.memref_slice %arg4[%dma_wait3A_95, %dma_wait3A_96] : memref<80x128xi32, #tpu.memory_space<vmem>> -> memref<1x128xi32, #tpu.memory_space<vmem>>
      %dma_wait3A_98 = tpu.memref_squeeze %dma_wait3A_97 : memref<1x128xi32, #tpu.memory_space<vmem>> -> memref<128xi32, #tpu.memory_space<vmem>>
      %dma_wait3A_99 = arith.constant 0 : i32
      %dma_wait3A_100 = tpu.memref_slice %arg7[%dma_wait3A_99] : memref<10240xf32, #tpu.memory_space<vmem_shared>> -> memref<10240xf32, #tpu.memory_space<vmem_shared>>
      tpu.wait_indirect_dma semaphore(%arg9 : memref<!tpu.dma_semaphore, #tpu.memory_space<semaphore_mem>>) src(%arg5 : memref<128xf32, #tpu.memory_space<vmem>>) dst(%dma_wait3A_100 : memref<10240xf32, #tpu.memory_space<vmem_shared>>)
    }
    %while3A_85 = arith.constant 1 : i32
    scf.for %while3A_94 = %while3A_83 to %while3A_79 step %while3A_85  : i32 {
      %dma_wait3A_95 = arith.constant 0 : i32
      %dma_wait3A_96 = arith.constant 0 : i32
      %dma_wait3A_97 = tpu.memref_slice %arg4[%dma_wait3A_95, %dma_wait3A_96] : memref<80x128xi32, #tpu.memory_space<vmem>> -> memref<1x128xi32, #tpu.memory_space<vmem>>
      %dma_wait3A_98 = tpu.memref_squeeze %dma_wait3A_97 : memref<1x128xi32, #tpu.memory_space<vmem>> -> memref<128xi32, #tpu.memory_space<vmem>>
      %dma_wait3A_99 = arith.constant 0 : i32
      %dma_wait3A_100 = tpu.memref_slice %arg7[%dma_wait3A_99] : memref<10240xf32, #tpu.memory_space<vmem_shared>> -> memref<10240xf32, #tpu.memory_space<vmem_shared>>
      tpu.wait_indirect_dma semaphore(%arg9 : memref<!tpu.dma_semaphore, #tpu.memory_space<semaphore_mem>>) src(%arg5 : memref<128xf32, #tpu.memory_space<vmem>>) dst(%dma_wait3A_100 : memref<10240xf32, #tpu.memory_space<vmem_shared>>)
    }
    %barrier3A_86 = arith.constant 0 : index
    tpu.barrier barrier_id(%barrier3A_86)
    %mul3A_87 = arith.constant 640 : i32
    %mul3A_88 = arith.muli %arg1, %mul3A_87 : i32
    "tpu.region"() ({
      %run_scoped3A = tpu.sem_alloc : memref<!tpu.dma_semaphore, #tpu.memory_space<semaphore_mem>>
      %dma_start3A_94 = tpu.memref_slice %arg7[%mul3A_88] : memref<10240xf32, #tpu.memory_space<vmem_shared>> -> memref<640xf32, #tpu.memory_space<vmem_shared>>
      %dma_start3A_95 = tpu.memref_slice %arg7[%mul3A_88] : memref<10240xf32, #tpu.memory_space<vmem_shared>> -> memref<640xf32, #tpu.memory_space<vmem_shared>>
      tpu.enqueue_dma source(%dma_start3A_95 : memref<640xf32, #tpu.memory_space<vmem_shared>>) target(%arg6 : memref<640xf32, #tpu.memory_space<vmem>>) target_semaphore(%run_scoped3A : memref<!tpu.dma_semaphore, #tpu.memory_space<semaphore_mem>>)
      %dma_wait3A_96 = tpu.memref_slice %arg7[%mul3A_88] : memref<10240xf32, #tpu.memory_space<vmem_shared>> -> memref<640xf32, #tpu.memory_space<vmem_shared>>
      %dma_wait3A_97 = tpu.memref_slice %arg7[%mul3A_88] : memref<10240xf32, #tpu.memory_space<vmem_shared>> -> memref<640xf32, #tpu.memory_space<vmem_shared>>
      tpu.wait_dma2 semaphore(%run_scoped3A : memref<!tpu.dma_semaphore, #tpu.memory_space<semaphore_mem>>) src(%dma_wait3A_97 : memref<640xf32, #tpu.memory_space<vmem_shared>>) dst(%arg6 : memref<640xf32, #tpu.memory_space<vmem>>)
      tpu.yield
    }) : () -> ()
    %mul3A_89 = arith.constant 10240 : i32
    %mul3A_90 = arith.muli %arg0, %mul3A_89 : i32
    %mul3A_91 = arith.constant 640 : i32
    %mul3A_92 = arith.muli %arg1, %mul3A_91 : i32
    %add3A_93 = arith.addi %mul3A_90, %mul3A_92 : i32
    "tpu.region"() ({
      %run_scoped3A = tpu.sem_alloc : memref<!tpu.dma_semaphore, #tpu.memory_space<semaphore_mem>>
      %dma_start3A_94 = tpu.memref_slice %arg3[%add3A_93] : memref<20480xf32, #tpu.memory_space<hbm>> -> memref<640xf32, #tpu.memory_space<hbm>>
      %dma_start3A_95 = tpu.memref_slice %arg3[%add3A_93] : memref<20480xf32, #tpu.memory_space<hbm>> -> memref<640xf32, #tpu.memory_space<hbm>>
      tpu.enqueue_dma source(%arg6 : memref<640xf32, #tpu.memory_space<vmem>>) target(%dma_start3A_95 : memref<640xf32, #tpu.memory_space<hbm>>) target_semaphore(%run_scoped3A : memref<!tpu.dma_semaphore, #tpu.memory_space<semaphore_mem>>)
      %dma_wait3A_96 = tpu.memref_slice %arg3[%add3A_93] : memref<20480xf32, #tpu.memory_space<hbm>> -> memref<640xf32, #tpu.memory_space<hbm>>
      %dma_wait3A_97 = tpu.memref_slice %arg3[%add3A_93] : memref<20480xf32, #tpu.memory_space<hbm>> -> memref<640xf32, #tpu.memory_space<hbm>>
      tpu.wait_dma2 semaphore(%run_scoped3A : memref<!tpu.dma_semaphore, #tpu.memory_space<semaphore_mem>>) src(%arg6 : memref<640xf32, #tpu.memory_space<vmem>>) dst(%dma_wait3A_97 : memref<640xf32, #tpu.memory_space<hbm>>)
      tpu.yield
    }) : () -> ()
    return
  }
}

#map = affine_map<(d0, d1) -> (0, 0, 0)>
#map1 = affine_map<(d0, d1) -> (0, 0)>
module attributes {stable_mosaic.version = 14 : i64} {
  func.func @_msg_kernel(%arg0: i32, %arg1: i32, %arg2: memref<2x2500x128xi32, #tpu.memory_space<hbm>>, %arg3: memref<10000x128xf32, #tpu.memory_space<hbm>>, %arg4: memref<2x10240x128xf32, #tpu.memory_space<hbm>>, %arg5: memref<56x128xi32, #tpu.memory_space<vmem>>, %arg6: memref<56x128xi32, #tpu.memory_space<vmem>>, %arg7: memref<128x128xf32, #tpu.memory_space<vmem>>, %arg8: memref<128x128xf32, #tpu.memory_space<vmem>>, %arg9: memref<10240x128xf32, #tpu.memory_space<vmem_shared>>, %arg10: memref<!tpu.dma_semaphore, #tpu.memory_space<semaphore_mem>>, %arg11: memref<!tpu.dma_semaphore, #tpu.memory_space<semaphore_mem>>, %arg12: memref<!tpu.dma_semaphore, #tpu.memory_space<semaphore_mem>>, %arg13: memref<!tpu.dma_semaphore, #tpu.memory_space<semaphore_mem>>) attributes {dimension_semantics = [#tpu.dimension_semantics<core_parallel>, #tpu.dimension_semantics<subcore_parallel>], iteration_bounds = array<i64: 2, 16>, scalar_prefetch = 0 : i64, scratch_operands = 9 : i64, tpu.core_type = #tpu.core_type<sc_vector_subcore>, window_params = [{transform_indices = #map}, {transform_indices = #map1}, {transform_indices = #map}]} {
    %mul3A = arith.constant 16 : i32
    %mul3A_0 = arith.muli %arg0, %mul3A : i32
    %add3A = arith.addi %mul3A_0, %arg1 : i32
    %mul3A_1 = arith.constant 9 : i32
    %mul3A_2 = arith.muli %add3A, %mul3A_1 : i32
    %min3A = arith.constant 24 : i32
    %min3A_3 = arith.minsi %add3A, %min3A : i32
    %add3A_4 = arith.addi %mul3A_2, %min3A_3 : i32
    %mul3A_5 = arith.constant 8 : i32
    %mul3A_6 = arith.muli %mul3A_5, %add3A_4 : i32
    %lt3A = arith.constant 24 : i32
    %lt3A_7 = arith.cmpi slt, %add3A, %lt3A : i32
    %eq3A = arith.constant 31 : i32
    %eq3A_8 = arith.cmpi eq, %add3A, %eq3A : i32
    %jit3A = arith.constant 76 : i32
    %jit3A_9 = arith.constant 72 : i32
    %select_n3A = arith.select %eq3A_8, %jit3A, %jit3A_9 : i32
    %jit3A_10 = arith.constant 80 : i32
    %select_n3A_11 = arith.select %lt3A_7, %jit3A_10, %select_n3A : i32
    %dma_start3A = arith.constant 0 : i32
    %dma_start3A_12 = arith.constant 0 : i32
    %dma_start3A_13 = tpu.memref_slice %arg2[%dma_start3A, %mul3A_6, %dma_start3A_12] : memref<2x2500x128xi32, #tpu.memory_space<hbm>> -> memref<1x56x128xi32, #tpu.memory_space<hbm>>
    %dma_start3A_14 = tpu.memref_squeeze %dma_start3A_13 : memref<1x56x128xi32, #tpu.memory_space<hbm>> -> memref<56x128xi32, #tpu.memory_space<hbm>>
    %dma_start3A_15 = arith.constant 0 : i32
    %dma_start3A_16 = tpu.memref_slice %arg2[%dma_start3A, %mul3A_6, %dma_start3A_15] : memref<2x2500x128xi32, #tpu.memory_space<hbm>> -> memref<1x56x128xi32, #tpu.memory_space<hbm>>
    %dma_start3A_17 = tpu.memref_squeeze %dma_start3A_16 : memref<1x56x128xi32, #tpu.memory_space<hbm>> -> memref<56x128xi32, #tpu.memory_space<hbm>>
    tpu.enqueue_dma source(%dma_start3A_17 : memref<56x128xi32, #tpu.memory_space<hbm>>) target(%arg5 : memref<56x128xi32, #tpu.memory_space<vmem>>) target_semaphore(%arg10 : memref<!tpu.dma_semaphore, #tpu.memory_space<semaphore_mem>>)
    %dma_start3A_18 = arith.constant 1 : i32
    %dma_start3A_19 = arith.constant 0 : i32
    %dma_start3A_20 = tpu.memref_slice %arg2[%dma_start3A_18, %mul3A_6, %dma_start3A_19] : memref<2x2500x128xi32, #tpu.memory_space<hbm>> -> memref<1x56x128xi32, #tpu.memory_space<hbm>>
    %dma_start3A_21 = tpu.memref_squeeze %dma_start3A_20 : memref<1x56x128xi32, #tpu.memory_space<hbm>> -> memref<56x128xi32, #tpu.memory_space<hbm>>
    %dma_start3A_22 = arith.constant 0 : i32
    %dma_start3A_23 = tpu.memref_slice %arg2[%dma_start3A_18, %mul3A_6, %dma_start3A_22] : memref<2x2500x128xi32, #tpu.memory_space<hbm>> -> memref<1x56x128xi32, #tpu.memory_space<hbm>>
    %dma_start3A_24 = tpu.memref_squeeze %dma_start3A_23 : memref<1x56x128xi32, #tpu.memory_space<hbm>> -> memref<56x128xi32, #tpu.memory_space<hbm>>
    tpu.enqueue_dma source(%dma_start3A_24 : memref<56x128xi32, #tpu.memory_space<hbm>>) target(%arg6 : memref<56x128xi32, #tpu.memory_space<vmem>>) target_semaphore(%arg10 : memref<!tpu.dma_semaphore, #tpu.memory_space<semaphore_mem>>)
    %scan3A = arith.constant 0 : i32
    %scan3A_25 = arith.constant 0 : i32
    %scan3A_26 = arith.constant 128 : i32
    %scan3A_27 = arith.addi %scan3A_25, %scan3A_26 : i32
    %scan3A_28 = arith.constant 1 : i32
    scf.for %scan3A_348 = %scan3A_25 to %scan3A_27 step %scan3A_28  : i32 {
      %broadcast_in_dim3A = arith.constant 0.000000e+00 : f32
      %broadcast_in_dim3A_349 = vector.broadcast %broadcast_in_dim3A : f32 to vector<16xf32>
      %swap3A = arith.index_cast %scan3A_348 : i32 to index
      %swap3A_350 = arith.constant 0 : index
      %swap3A_351 = tpu.vector_load %arg7[%swap3A, %swap3A_350] {strides = array<i32>} : memref<128x128xf32, #tpu.memory_space<vmem>>, vector<1x16xf32>,
      %swap3A_352 = vector.shape_cast %swap3A_351 : vector<1x16xf32> to vector<16xf32>
      %swap3A_353 = vector.shape_cast %broadcast_in_dim3A_349 : vector<16xf32> to vector<1x16xf32>
      tpu.vector_store %arg7[%swap3A, %swap3A_350], %swap3A_353 {strides = array<i32>} : memref<128x128xf32, #tpu.memory_space<vmem>>, vector<1x16xf32>,
      %broadcast_in_dim3A_354 = arith.constant 0.000000e+00 : f32
      %broadcast_in_dim3A_355 = vector.broadcast %broadcast_in_dim3A_354 : f32 to vector<16xf32>
      %swap3A_356 = arith.index_cast %scan3A_348 : i32 to index
      %swap3A_357 = arith.constant 16 : index
      %swap3A_358 = tpu.vector_load %arg7[%swap3A_356, %swap3A_357] {strides = array<i32>} : memref<128x128xf32, #tpu.memory_space<vmem>>, vector<1x16xf32>,
      %swap3A_359 = vector.shape_cast %swap3A_358 : vector<1x16xf32> to vector<16xf32>
      %swap3A_360 = vector.shape_cast %broadcast_in_dim3A_355 : vector<16xf32> to vector<1x16xf32>
      tpu.vector_store %arg7[%swap3A_356, %swap3A_357], %swap3A_360 {strides = array<i32>} : memref<128x128xf32, #tpu.memory_space<vmem>>, vector<1x16xf32>,
      %broadcast_in_dim3A_361 = arith.constant 0.000000e+00 : f32
      %broadcast_in_dim3A_362 = vector.broadcast %broadcast_in_dim3A_361 : f32 to vector<16xf32>
      %swap3A_363 = arith.index_cast %scan3A_348 : i32 to index
      %swap3A_364 = arith.constant 32 : index
      %swap3A_365 = tpu.vector_load %arg7[%swap3A_363, %swap3A_364] {strides = array<i32>} : memref<128x128xf32, #tpu.memory_space<vmem>>, vector<1x16xf32>,
      %swap3A_366 = vector.shape_cast %swap3A_365 : vector<1x16xf32> to vector<16xf32>
      %swap3A_367 = vector.shape_cast %broadcast_in_dim3A_362 : vector<16xf32> to vector<1x16xf32>
      tpu.vector_store %arg7[%swap3A_363, %swap3A_364], %swap3A_367 {strides = array<i32>} : memref<128x128xf32, #tpu.memory_space<vmem>>, vector<1x16xf32>,
      %broadcast_in_dim3A_368 = arith.constant 0.000000e+00 : f32
      %broadcast_in_dim3A_369 = vector.broadcast %broadcast_in_dim3A_368 : f32 to vector<16xf32>
      %swap3A_370 = arith.index_cast %scan3A_348 : i32 to index
      %swap3A_371 = arith.constant 48 : index
      %swap3A_372 = tpu.vector_load %arg7[%swap3A_370, %swap3A_371] {strides = array<i32>} : memref<128x128xf32, #tpu.memory_space<vmem>>, vector<1x16xf32>,
      %swap3A_373 = vector.shape_cast %swap3A_372 : vector<1x16xf32> to vector<16xf32>
      %swap3A_374 = vector.shape_cast %broadcast_in_dim3A_369 : vector<16xf32> to vector<1x16xf32>
      tpu.vector_store %arg7[%swap3A_370, %swap3A_371], %swap3A_374 {strides = array<i32>} : memref<128x128xf32, #tpu.memory_space<vmem>>, vector<1x16xf32>,
      %broadcast_in_dim3A_375 = arith.constant 0.000000e+00 : f32
      %broadcast_in_dim3A_376 = vector.broadcast %broadcast_in_dim3A_375 : f32 to vector<16xf32>
      %swap3A_377 = arith.index_cast %scan3A_348 : i32 to index
      %swap3A_378 = arith.constant 64 : index
      %swap3A_379 = tpu.vector_load %arg7[%swap3A_377, %swap3A_378] {strides = array<i32>} : memref<128x128xf32, #tpu.memory_space<vmem>>, vector<1x16xf32>,
      %swap3A_380 = vector.shape_cast %swap3A_379 : vector<1x16xf32> to vector<16xf32>
      %swap3A_381 = vector.shape_cast %broadcast_in_dim3A_376 : vector<16xf32> to vector<1x16xf32>
      tpu.vector_store %arg7[%swap3A_377, %swap3A_378], %swap3A_381 {strides = array<i32>} : memref<128x128xf32, #tpu.memory_space<vmem>>, vector<1x16xf32>,
      %broadcast_in_dim3A_382 = arith.constant 0.000000e+00 : f32
      %broadcast_in_dim3A_383 = vector.broadcast %broadcast_in_dim3A_382 : f32 to vector<16xf32>
      %swap3A_384 = arith.index_cast %scan3A_348 : i32 to index
      %swap3A_385 = arith.constant 80 : index
      %swap3A_386 = tpu.vector_load %arg7[%swap3A_384, %swap3A_385] {strides = array<i32>} : memref<128x128xf32, #tpu.memory_space<vmem>>, vector<1x16xf32>,
      %swap3A_387 = vector.shape_cast %swap3A_386 : vector<1x16xf32> to vector<16xf32>
      %swap3A_388 = vector.shape_cast %broadcast_in_dim3A_383 : vector<16xf32> to vector<1x16xf32>
      tpu.vector_store %arg7[%swap3A_384, %swap3A_385], %swap3A_388 {strides = array<i32>} : memref<128x128xf32, #tpu.memory_space<vmem>>, vector<1x16xf32>,
      %broadcast_in_dim3A_389 = arith.constant 0.000000e+00 : f32
      %broadcast_in_dim3A_390 = vector.broadcast %broadcast_in_dim3A_389 : f32 to vector<16xf32>
      %swap3A_391 = arith.index_cast %scan3A_348 : i32 to index
      %swap3A_392 = arith.constant 96 : index
      %swap3A_393 = tpu.vector_load %arg7[%swap3A_391, %swap3A_392] {strides = array<i32>} : memref<128x128xf32, #tpu.memory_space<vmem>>, vector<1x16xf32>,
      %swap3A_394 = vector.shape_cast %swap3A_393 : vector<1x16xf32> to vector<16xf32>
      %swap3A_395 = vector.shape_cast %broadcast_in_dim3A_390 : vector<16xf32> to vector<1x16xf32>
      tpu.vector_store %arg7[%swap3A_391, %swap3A_392], %swap3A_395 {strides = array<i32>} : memref<128x128xf32, #tpu.memory_space<vmem>>, vector<1x16xf32>,
      %broadcast_in_dim3A_396 = arith.constant 0.000000e+00 : f32
      %broadcast_in_dim3A_397 = vector.broadcast %broadcast_in_dim3A_396 : f32 to vector<16xf32>
      %swap3A_398 = arith.index_cast %scan3A_348 : i32 to index
      %swap3A_399 = arith.constant 112 : index
      %swap3A_400 = tpu.vector_load %arg7[%swap3A_398, %swap3A_399] {strides = array<i32>} : memref<128x128xf32, #tpu.memory_space<vmem>>, vector<1x16xf32>,
      %swap3A_401 = vector.shape_cast %swap3A_400 : vector<1x16xf32> to vector<16xf32>
      %swap3A_402 = vector.shape_cast %broadcast_in_dim3A_397 : vector<16xf32> to vector<1x16xf32>
      tpu.vector_store %arg7[%swap3A_398, %swap3A_399], %swap3A_402 {strides = array<i32>} : memref<128x128xf32, #tpu.memory_space<vmem>>, vector<1x16xf32>,
    }
    %scan3A_29 = arith.constant 128 : i32
    %mul3A_30 = arith.constant 640 : i32
    %mul3A_31 = arith.muli %arg1, %mul3A_30 : i32
    %add3A_32 = arith.constant 0 : i32
    %add3A_33 = arith.addi %mul3A_31, %add3A_32 : i32
    %dma_start3A_34 = arith.constant 0 : i32
    %dma_start3A_35 = tpu.memref_slice %arg9[%add3A_33, %dma_start3A_34] : memref<10240x128xf32, #tpu.memory_space<vmem_shared>> -> memref<128x128xf32, #tpu.memory_space<vmem_shared>>
    %dma_start3A_36 = arith.constant 0 : i32
    %dma_start3A_37 = tpu.memref_slice %arg9[%add3A_33, %dma_start3A_36] : memref<10240x128xf32, #tpu.memory_space<vmem_shared>> -> memref<128x128xf32, #tpu.memory_space<vmem_shared>>
    tpu.enqueue_dma source(%arg7 : memref<128x128xf32, #tpu.memory_space<vmem>>) target(%dma_start3A_37 : memref<128x128xf32, #tpu.memory_space<vmem_shared>>) target_semaphore(%arg13 : memref<!tpu.dma_semaphore, #tpu.memory_space<semaphore_mem>>)
    %add3A_38 = arith.constant 128 : i32
    %add3A_39 = arith.addi %mul3A_31, %add3A_38 : i32
    %dma_start3A_40 = arith.constant 0 : i32
    %dma_start3A_41 = tpu.memref_slice %arg9[%add3A_39, %dma_start3A_40] : memref<10240x128xf32, #tpu.memory_space<vmem_shared>> -> memref<128x128xf32, #tpu.memory_space<vmem_shared>>
    %dma_start3A_42 = arith.constant 0 : i32
    %dma_start3A_43 = tpu.memref_slice %arg9[%add3A_39, %dma_start3A_42] : memref<10240x128xf32, #tpu.memory_space<vmem_shared>> -> memref<128x128xf32, #tpu.memory_space<vmem_shared>>
    tpu.enqueue_dma source(%arg7 : memref<128x128xf32, #tpu.memory_space<vmem>>) target(%dma_start3A_43 : memref<128x128xf32, #tpu.memory_space<vmem_shared>>) target_semaphore(%arg13 : memref<!tpu.dma_semaphore, #tpu.memory_space<semaphore_mem>>)
    %add3A_44 = arith.constant 256 : i32
    %add3A_45 = arith.addi %mul3A_31, %add3A_44 : i32
    %dma_start3A_46 = arith.constant 0 : i32
    %dma_start3A_47 = tpu.memref_slice %arg9[%add3A_45, %dma_start3A_46] : memref<10240x128xf32, #tpu.memory_space<vmem_shared>> -> memref<128x128xf32, #tpu.memory_space<vmem_shared>>
    %dma_start3A_48 = arith.constant 0 : i32
    %dma_start3A_49 = tpu.memref_slice %arg9[%add3A_45, %dma_start3A_48] : memref<10240x128xf32, #tpu.memory_space<vmem_shared>> -> memref<128x128xf32, #tpu.memory_space<vmem_shared>>
    tpu.enqueue_dma source(%arg7 : memref<128x128xf32, #tpu.memory_space<vmem>>) target(%dma_start3A_49 : memref<128x128xf32, #tpu.memory_space<vmem_shared>>) target_semaphore(%arg13 : memref<!tpu.dma_semaphore, #tpu.memory_space<semaphore_mem>>)
    %add3A_50 = arith.constant 384 : i32
    %add3A_51 = arith.addi %mul3A_31, %add3A_50 : i32
    %dma_start3A_52 = arith.constant 0 : i32
    %dma_start3A_53 = tpu.memref_slice %arg9[%add3A_51, %dma_start3A_52] : memref<10240x128xf32, #tpu.memory_space<vmem_shared>> -> memref<128x128xf32, #tpu.memory_space<vmem_shared>>
    %dma_start3A_54 = arith.constant 0 : i32
    %dma_start3A_55 = tpu.memref_slice %arg9[%add3A_51, %dma_start3A_54] : memref<10240x128xf32, #tpu.memory_space<vmem_shared>> -> memref<128x128xf32, #tpu.memory_space<vmem_shared>>
    tpu.enqueue_dma source(%arg7 : memref<128x128xf32, #tpu.memory_space<vmem>>) target(%dma_start3A_55 : memref<128x128xf32, #tpu.memory_space<vmem_shared>>) target_semaphore(%arg13 : memref<!tpu.dma_semaphore, #tpu.memory_space<semaphore_mem>>)
    %add3A_56 = arith.constant 512 : i32
    %add3A_57 = arith.addi %mul3A_31, %add3A_56 : i32
    %dma_start3A_58 = arith.constant 0 : i32
    %dma_start3A_59 = tpu.memref_slice %arg9[%add3A_57, %dma_start3A_58] : memref<10240x128xf32, #tpu.memory_space<vmem_shared>> -> memref<128x128xf32, #tpu.memory_space<vmem_shared>>
    %dma_start3A_60 = arith.constant 0 : i32
    %dma_start3A_61 = tpu.memref_slice %arg9[%add3A_57, %dma_start3A_60] : memref<10240x128xf32, #tpu.memory_space<vmem_shared>> -> memref<128x128xf32, #tpu.memory_space<vmem_shared>>
    tpu.enqueue_dma source(%arg7 : memref<128x128xf32, #tpu.memory_space<vmem>>) target(%dma_start3A_61 : memref<128x128xf32, #tpu.memory_space<vmem_shared>>) target_semaphore(%arg13 : memref<!tpu.dma_semaphore, #tpu.memory_space<semaphore_mem>>)
    %dma_wait3A = arith.constant 0 : i32
    %dma_wait3A_62 = tpu.memref_slice %arg9[%mul3A_31, %dma_wait3A] : memref<10240x128xf32, #tpu.memory_space<vmem_shared>> -> memref<128x128xf32, #tpu.memory_space<vmem_shared>>
    %dma_wait3A_63 = arith.constant 0 : i32
    %dma_wait3A_64 = tpu.memref_slice %arg9[%mul3A_31, %dma_wait3A_63] : memref<10240x128xf32, #tpu.memory_space<vmem_shared>> -> memref<128x128xf32, #tpu.memory_space<vmem_shared>>
    tpu.wait_dma2 semaphore(%arg13 : memref<!tpu.dma_semaphore, #tpu.memory_space<semaphore_mem>>) src(%arg7 : memref<128x128xf32, #tpu.memory_space<vmem>>) dst(%dma_wait3A_64 : memref<128x128xf32, #tpu.memory_space<vmem_shared>>)
    %dma_wait3A_65 = arith.constant 0 : i32
    %dma_wait3A_66 = tpu.memref_slice %arg9[%mul3A_31, %dma_wait3A_65] : memref<10240x128xf32, #tpu.memory_space<vmem_shared>> -> memref<128x128xf32, #tpu.memory_space<vmem_shared>>
    %dma_wait3A_67 = arith.constant 0 : i32
    %dma_wait3A_68 = tpu.memref_slice %arg9[%mul3A_31, %dma_wait3A_67] : memref<10240x128xf32, #tpu.memory_space<vmem_shared>> -> memref<128x128xf32, #tpu.memory_space<vmem_shared>>
    tpu.wait_dma2 semaphore(%arg13 : memref<!tpu.dma_semaphore, #tpu.memory_space<semaphore_mem>>) src(%arg7 : memref<128x128xf32, #tpu.memory_space<vmem>>) dst(%dma_wait3A_68 : memref<128x128xf32, #tpu.memory_space<vmem_shared>>)
    %dma_wait3A_69 = arith.constant 0 : i32
    %dma_wait3A_70 = tpu.memref_slice %arg9[%mul3A_31, %dma_wait3A_69] : memref<10240x128xf32, #tpu.memory_space<vmem_shared>> -> memref<128x128xf32, #tpu.memory_space<vmem_shared>>
    %dma_wait3A_71 = arith.constant 0 : i32
    %dma_wait3A_72 = tpu.memref_slice %arg9[%mul3A_31, %dma_wait3A_71] : memref<10240x128xf32, #tpu.memory_space<vmem_shared>> -> memref<128x128xf32, #tpu.memory_space<vmem_shared>>
    tpu.wait_dma2 semaphore(%arg13 : memref<!tpu.dma_semaphore, #tpu.memory_space<semaphore_mem>>) src(%arg7 : memref<128x128xf32, #tpu.memory_space<vmem>>) dst(%dma_wait3A_72 : memref<128x128xf32, #tpu.memory_space<vmem_shared>>)
    %dma_wait3A_73 = arith.constant 0 : i32
    %dma_wait3A_74 = tpu.memref_slice %arg9[%mul3A_31, %dma_wait3A_73] : memref<10240x128xf32, #tpu.memory_space<vmem_shared>> -> memref<128x128xf32, #tpu.memory_space<vmem_shared>>
    %dma_wait3A_75 = arith.constant 0 : i32
    %dma_wait3A_76 = tpu.memref_slice %arg9[%mul3A_31, %dma_wait3A_75] : memref<10240x128xf32, #tpu.memory_space<vmem_shared>> -> memref<128x128xf32, #tpu.memory_space<vmem_shared>>
    tpu.wait_dma2 semaphore(%arg13 : memref<!tpu.dma_semaphore, #tpu.memory_space<semaphore_mem>>) src(%arg7 : memref<128x128xf32, #tpu.memory_space<vmem>>) dst(%dma_wait3A_76 : memref<128x128xf32, #tpu.memory_space<vmem_shared>>)
    %dma_wait3A_77 = arith.constant 0 : i32
    %dma_wait3A_78 = tpu.memref_slice %arg9[%mul3A_31, %dma_wait3A_77] : memref<10240x128xf32, #tpu.memory_space<vmem_shared>> -> memref<128x128xf32, #tpu.memory_space<vmem_shared>>
    %dma_wait3A_79 = arith.constant 0 : i32
    %dma_wait3A_80 = tpu.memref_slice %arg9[%mul3A_31, %dma_wait3A_79] : memref<10240x128xf32, #tpu.memory_space<vmem_shared>> -> memref<128x128xf32, #tpu.memory_space<vmem_shared>>
    tpu.wait_dma2 semaphore(%arg13 : memref<!tpu.dma_semaphore, #tpu.memory_space<semaphore_mem>>) src(%arg7 : memref<128x128xf32, #tpu.memory_space<vmem>>) dst(%dma_wait3A_80 : memref<128x128xf32, #tpu.memory_space<vmem_shared>>)
    %dma_wait3A_81 = arith.constant 0 : i32
    %dma_wait3A_82 = arith.constant 0 : i32
    %dma_wait3A_83 = tpu.memref_slice %arg2[%dma_wait3A_81, %mul3A_6, %dma_wait3A_82] : memref<2x2500x128xi32, #tpu.memory_space<hbm>> -> memref<1x56x128xi32, #tpu.memory_space<hbm>>
    %dma_wait3A_84 = tpu.memref_squeeze %dma_wait3A_83 : memref<1x56x128xi32, #tpu.memory_space<hbm>> -> memref<56x128xi32, #tpu.memory_space<hbm>>
    %dma_wait3A_85 = arith.constant 0 : i32
    %dma_wait3A_86 = tpu.memref_slice %arg2[%dma_wait3A_81, %mul3A_6, %dma_wait3A_85] : memref<2x2500x128xi32, #tpu.memory_space<hbm>> -> memref<1x56x128xi32, #tpu.memory_space<hbm>>
    %dma_wait3A_87 = tpu.memref_squeeze %dma_wait3A_86 : memref<1x56x128xi32, #tpu.memory_space<hbm>> -> memref<56x128xi32, #tpu.memory_space<hbm>>
    tpu.wait_dma2 semaphore(%arg10 : memref<!tpu.dma_semaphore, #tpu.memory_space<semaphore_mem>>) src(%dma_wait3A_87 : memref<56x128xi32, #tpu.memory_space<hbm>>) dst(%arg5 : memref<56x128xi32, #tpu.memory_space<vmem>>)
    %dma_wait3A_88 = arith.constant 1 : i32
    %dma_wait3A_89 = arith.constant 0 : i32
    %dma_wait3A_90 = tpu.memref_slice %arg2[%dma_wait3A_88, %mul3A_6, %dma_wait3A_89] : memref<2x2500x128xi32, #tpu.memory_space<hbm>> -> memref<1x56x128xi32, #tpu.memory_space<hbm>>
    %dma_wait3A_91 = tpu.memref_squeeze %dma_wait3A_90 : memref<1x56x128xi32, #tpu.memory_space<hbm>> -> memref<56x128xi32, #tpu.memory_space<hbm>>
    %dma_wait3A_92 = arith.constant 0 : i32
    %dma_wait3A_93 = tpu.memref_slice %arg2[%dma_wait3A_88, %mul3A_6, %dma_wait3A_92] : memref<2x2500x128xi32, #tpu.memory_space<hbm>> -> memref<1x56x128xi32, #tpu.memory_space<hbm>>
    %dma_wait3A_94 = tpu.memref_squeeze %dma_wait3A_93 : memref<1x56x128xi32, #tpu.memory_space<hbm>> -> memref<56x128xi32, #tpu.memory_space<hbm>>
    tpu.wait_dma2 semaphore(%arg10 : memref<!tpu.dma_semaphore, #tpu.memory_space<semaphore_mem>>) src(%dma_wait3A_94 : memref<56x128xi32, #tpu.memory_space<hbm>>) dst(%arg6 : memref<56x128xi32, #tpu.memory_space<vmem>>)
    %dma_start3A_95 = arith.constant 0 : i32
    %dma_start3A_96 = arith.constant 0 : i32
    %dma_start3A_97 = tpu.memref_slice %arg5[%dma_start3A_95, %dma_start3A_96] : memref<56x128xi32, #tpu.memory_space<vmem>> -> memref<1x128xi32, #tpu.memory_space<vmem>>
    %dma_start3A_98 = tpu.memref_squeeze %dma_start3A_97 : memref<1x128xi32, #tpu.memory_space<vmem>> -> memref<128xi32, #tpu.memory_space<vmem>>
    %dma_start3A_99 = arith.constant 0 : i32
    %dma_start3A_100 = arith.constant 0 : i32
    %dma_start3A_101 = tpu.memref_slice %arg3[%dma_start3A_99, %dma_start3A_100] : memref<10000x128xf32, #tpu.memory_space<hbm>> -> memref<10000x128xf32, #tpu.memory_space<hbm>>
    tpu.enqueue_indirect_dma source(%dma_start3A_101 : memref<10000x128xf32, #tpu.memory_space<hbm>>) target(%arg7 : memref<128x128xf32, #tpu.memory_space<vmem>>) offsets(%dma_start3A_98 : memref<128xi32, #tpu.memory_space<vmem>>) semaphore(%arg11 : memref<!tpu.dma_semaphore, #tpu.memory_space<semaphore_mem>>)
    %dma_start3A_102 = arith.constant 1 : i32
    %dma_start3A_103 = arith.constant 0 : i32
    %dma_start3A_104 = tpu.memref_slice %arg5[%dma_start3A_102, %dma_start3A_103] : memref<56x128xi32, #tpu.memory_space<vmem>> -> memref<1x128xi32, #tpu.memory_space<vmem>>
    %dma_start3A_105 = tpu.memref_squeeze %dma_start3A_104 : memref<1x128xi32, #tpu.memory_space<vmem>> -> memref<128xi32, #tpu.memory_space<vmem>>
    %dma_start3A_106 = arith.constant 0 : i32
    %dma_start3A_107 = arith.constant 0 : i32
    %dma_start3A_108 = tpu.memref_slice %arg3[%dma_start3A_106, %dma_start3A_107] : memref<10000x128xf32, #tpu.memory_space<hbm>> -> memref<10000x128xf32, #tpu.memory_space<hbm>>
    tpu.enqueue_indirect_dma source(%dma_start3A_108 : memref<10000x128xf32, #tpu.memory_space<hbm>>) target(%arg8 : memref<128x128xf32, #tpu.memory_space<vmem>>) offsets(%dma_start3A_105 : memref<128xi32, #tpu.memory_space<vmem>>) semaphore(%arg12 : memref<!tpu.dma_semaphore, #tpu.memory_space<semaphore_mem>>)
    %barrier3A = arith.constant 0 : index
    tpu.barrier barrier_id(%barrier3A)
    %scan3A_109 = arith.constant 0 : i32
    %scan3A_110 = arith.constant 0 : i32
    %scan3A_111 = arith.constant 27 : i32
    %scan3A_112 = arith.addi %scan3A_110, %scan3A_111 : i32
    %scan3A_113 = arith.constant 1 : i32
    scf.for %scan3A_348 = %scan3A_110 to %scan3A_112 step %scan3A_113  : i32 {
      %mul3A_349 = arith.constant 2 : i32
      %mul3A_350 = arith.muli %mul3A_349, %scan3A_348 : i32
      %dma_wait3A_351 = arith.constant 0 : i32
      %dma_wait3A_352 = tpu.memref_slice %arg5[%mul3A_350, %dma_wait3A_351] : memref<56x128xi32, #tpu.memory_space<vmem>> -> memref<1x128xi32, #tpu.memory_space<vmem>>
      %dma_wait3A_353 = tpu.memref_squeeze %dma_wait3A_352 : memref<1x128xi32, #tpu.memory_space<vmem>> -> memref<128xi32, #tpu.memory_space<vmem>>
      %dma_wait3A_354 = arith.constant 0 : i32
      %dma_wait3A_355 = arith.constant 0 : i32
      %dma_wait3A_356 = tpu.memref_slice %arg3[%dma_wait3A_354, %dma_wait3A_355] : memref<10000x128xf32, #tpu.memory_space<hbm>> -> memref<10000x128xf32, #tpu.memory_space<hbm>>
      tpu.wait_indirect_dma semaphore(%arg11 : memref<!tpu.dma_semaphore, #tpu.memory_space<semaphore_mem>>) src(%dma_wait3A_356 : memref<10000x128xf32, #tpu.memory_space<hbm>>) dst(%arg7 : memref<128x128xf32, #tpu.memory_space<vmem>>)
      "tpu.region"() ({
        %run_scoped3A_383 = tpu.sem_alloc : memref<!tpu.dma_semaphore, #tpu.memory_space<semaphore_mem>>
        %dma_start3A_384 = arith.constant 0 : i32
        %dma_start3A_385 = tpu.memref_slice %arg6[%mul3A_350, %dma_start3A_384] : memref<56x128xi32, #tpu.memory_space<vmem>> -> memref<1x128xi32, #tpu.memory_space<vmem>>
        %dma_start3A_386 = tpu.memref_squeeze %dma_start3A_385 : memref<1x128xi32, #tpu.memory_space<vmem>> -> memref<128xi32, #tpu.memory_space<vmem>>
        %dma_start3A_387 = arith.constant 0 : i32
        %dma_start3A_388 = arith.constant 0 : i32
        %dma_start3A_389 = tpu.memref_slice %arg9[%dma_start3A_387, %dma_start3A_388] : memref<10240x128xf32, #tpu.memory_space<vmem_shared>> -> memref<10240x128xf32, #tpu.memory_space<vmem_shared>>
        tpu.enqueue_indirect_dma source(%arg7 : memref<128x128xf32, #tpu.memory_space<vmem>>) target(%dma_start3A_389 : memref<10240x128xf32, #tpu.memory_space<vmem_shared>>) offsets(%dma_start3A_386 : memref<128xi32, #tpu.memory_space<vmem>>) semaphore(%run_scoped3A_383 : memref<!tpu.dma_semaphore, #tpu.memory_space<semaphore_mem>>) {add = true}
        %dma_wait3A_390 = arith.constant 0 : i32
        %dma_wait3A_391 = tpu.memref_slice %arg6[%mul3A_350, %dma_wait3A_390] : memref<56x128xi32, #tpu.memory_space<vmem>> -> memref<1x128xi32, #tpu.memory_space<vmem>>
        %dma_wait3A_392 = tpu.memref_squeeze %dma_wait3A_391 : memref<1x128xi32, #tpu.memory_space<vmem>> -> memref<128xi32, #tpu.memory_space<vmem>>
        %dma_wait3A_393 = arith.constant 0 : i32
        %dma_wait3A_394 = arith.constant 0 : i32
        %dma_wait3A_395 = tpu.memref_slice %arg9[%dma_wait3A_393, %dma_wait3A_394] : memref<10240x128xf32, #tpu.memory_space<vmem_shared>> -> memref<10240x128xf32, #tpu.memory_space<vmem_shared>>
        tpu.wait_indirect_dma semaphore(%run_scoped3A_383 : memref<!tpu.dma_semaphore, #tpu.memory_space<semaphore_mem>>) src(%arg7 : memref<128x128xf32, #tpu.memory_space<vmem>>) dst(%dma_wait3A_395 : memref<10240x128xf32, #tpu.memory_space<vmem_shared>>)
        tpu.yield
      }) : () -> ()
      %add3A_357 = arith.constant 2 : i32
      %add3A_358 = arith.addi %mul3A_350, %add3A_357 : i32
      %dma_start3A_359 = arith.constant 0 : i32
      %dma_start3A_360 = tpu.memref_slice %arg5[%add3A_358, %dma_start3A_359] : memref<56x128xi32, #tpu.memory_space<vmem>> -> memref<1x128xi32, #tpu.memory_space<vmem>>
      %dma_start3A_361 = tpu.memref_squeeze %dma_start3A_360 : memref<1x128xi32, #tpu.memory_space<vmem>> -> memref<128xi32, #tpu.memory_space<vmem>>
      %dma_start3A_362 = arith.constant 0 : i32
      %dma_start3A_363 = arith.constant 0 : i32
      %dma_start3A_364 = tpu.memref_slice %arg3[%dma_start3A_362, %dma_start3A_363] : memref<10000x128xf32, #tpu.memory_space<hbm>> -> memref<10000x128xf32, #tpu.memory_space<hbm>>
      tpu.enqueue_indirect_dma source(%dma_start3A_364 : memref<10000x128xf32, #tpu.memory_space<hbm>>) target(%arg7 : memref<128x128xf32, #tpu.memory_space<vmem>>) offsets(%dma_start3A_361 : memref<128xi32, #tpu.memory_space<vmem>>) semaphore(%arg11 : memref<!tpu.dma_semaphore, #tpu.memory_space<semaphore_mem>>)
      %mul3A_365 = arith.constant 2 : i32
      %mul3A_366 = arith.muli %mul3A_365, %scan3A_348 : i32
      %add3A_367 = arith.constant 1 : i32
      %add3A_368 = arith.addi %mul3A_366, %add3A_367 : i32
      %dma_wait3A_369 = arith.constant 0 : i32
      %dma_wait3A_370 = tpu.memref_slice %arg5[%add3A_368, %dma_wait3A_369] : memref<56x128xi32, #tpu.memory_space<vmem>> -> memref<1x128xi32, #tpu.memory_space<vmem>>
      %dma_wait3A_371 = tpu.memref_squeeze %dma_wait3A_370 : memref<1x128xi32, #tpu.memory_space<vmem>> -> memref<128xi32, #tpu.memory_space<vmem>>
      %dma_wait3A_372 = arith.constant 0 : i32
      %dma_wait3A_373 = arith.constant 0 : i32
      %dma_wait3A_374 = tpu.memref_slice %arg3[%dma_wait3A_372, %dma_wait3A_373] : memref<10000x128xf32, #tpu.memory_space<hbm>> -> memref<10000x128xf32, #tpu.memory_space<hbm>>
      tpu.wait_indirect_dma semaphore(%arg12 : memref<!tpu.dma_semaphore, #tpu.memory_space<semaphore_mem>>) src(%dma_wait3A_374 : memref<10000x128xf32, #tpu.memory_space<hbm>>) dst(%arg8 : memref<128x128xf32, #tpu.memory_space<vmem>>)
      "tpu.region"() ({
        %run_scoped3A_383 = tpu.sem_alloc : memref<!tpu.dma_semaphore, #tpu.memory_space<semaphore_mem>>
        %dma_start3A_384 = arith.constant 0 : i32
        %dma_start3A_385 = tpu.memref_slice %arg6[%add3A_368, %dma_start3A_384] : memref<56x128xi32, #tpu.memory_space<vmem>> -> memref<1x128xi32, #tpu.memory_space<vmem>>
        %dma_start3A_386 = tpu.memref_squeeze %dma_start3A_385 : memref<1x128xi32, #tpu.memory_space<vmem>> -> memref<128xi32, #tpu.memory_space<vmem>>
        %dma_start3A_387 = arith.constant 0 : i32
        %dma_start3A_388 = arith.constant 0 : i32
        %dma_start3A_389 = tpu.memref_slice %arg9[%dma_start3A_387, %dma_start3A_388] : memref<10240x128xf32, #tpu.memory_space<vmem_shared>> -> memref<10240x128xf32, #tpu.memory_space<vmem_shared>>
        tpu.enqueue_indirect_dma source(%arg8 : memref<128x128xf32, #tpu.memory_space<vmem>>) target(%dma_start3A_389 : memref<10240x128xf32, #tpu.memory_space<vmem_shared>>) offsets(%dma_start3A_386 : memref<128xi32, #tpu.memory_space<vmem>>) semaphore(%run_scoped3A_383 : memref<!tpu.dma_semaphore, #tpu.memory_space<semaphore_mem>>) {add = true}
        %dma_wait3A_390 = arith.constant 0 : i32
        %dma_wait3A_391 = tpu.memref_slice %arg6[%add3A_368, %dma_wait3A_390] : memref<56x128xi32, #tpu.memory_space<vmem>> -> memref<1x128xi32, #tpu.memory_space<vmem>>
        %dma_wait3A_392 = tpu.memref_squeeze %dma_wait3A_391 : memref<1x128xi32, #tpu.memory_space<vmem>> -> memref<128xi32, #tpu.memory_space<vmem>>
        %dma_wait3A_393 = arith.constant 0 : i32
        %dma_wait3A_394 = arith.constant 0 : i32
        %dma_wait3A_395 = tpu.memref_slice %arg9[%dma_wait3A_393, %dma_wait3A_394] : memref<10240x128xf32, #tpu.memory_space<vmem_shared>> -> memref<10240x128xf32, #tpu.memory_space<vmem_shared>>
        tpu.wait_indirect_dma semaphore(%run_scoped3A_383 : memref<!tpu.dma_semaphore, #tpu.memory_space<semaphore_mem>>) src(%arg8 : memref<128x128xf32, #tpu.memory_space<vmem>>) dst(%dma_wait3A_395 : memref<10240x128xf32, #tpu.memory_space<vmem_shared>>)
        tpu.yield
      }) : () -> ()
      %add3A_375 = arith.constant 2 : i32
      %add3A_376 = arith.addi %add3A_368, %add3A_375 : i32
      %dma_start3A_377 = arith.constant 0 : i32
      %dma_start3A_378 = tpu.memref_slice %arg5[%add3A_376, %dma_start3A_377] : memref<56x128xi32, #tpu.memory_space<vmem>> -> memref<1x128xi32, #tpu.memory_space<vmem>>
      %dma_start3A_379 = tpu.memref_squeeze %dma_start3A_378 : memref<1x128xi32, #tpu.memory_space<vmem>> -> memref<128xi32, #tpu.memory_space<vmem>>
      %dma_start3A_380 = arith.constant 0 : i32
      %dma_start3A_381 = arith.constant 0 : i32
      %dma_start3A_382 = tpu.memref_slice %arg3[%dma_start3A_380, %dma_start3A_381] : memref<10000x128xf32, #tpu.memory_space<hbm>> -> memref<10000x128xf32, #tpu.memory_space<hbm>>
      tpu.enqueue_indirect_dma source(%dma_start3A_382 : memref<10000x128xf32, #tpu.memory_space<hbm>>) target(%arg8 : memref<128x128xf32, #tpu.memory_space<vmem>>) offsets(%dma_start3A_379 : memref<128xi32, #tpu.memory_space<vmem>>) semaphore(%arg12 : memref<!tpu.dma_semaphore, #tpu.memory_space<semaphore_mem>>)
    }
    %scan3A_114 = arith.constant 27 : i32
    %dma_wait3A_115 = arith.constant 54 : i32
    %dma_wait3A_116 = arith.constant 0 : i32
    %dma_wait3A_117 = tpu.memref_slice %arg5[%dma_wait3A_115, %dma_wait3A_116] : memref<56x128xi32, #tpu.memory_space<vmem>> -> memref<1x128xi32, #tpu.memory_space<vmem>>
    %dma_wait3A_118 = tpu.memref_squeeze %dma_wait3A_117 : memref<1x128xi32, #tpu.memory_space<vmem>> -> memref<128xi32, #tpu.memory_space<vmem>>
    %dma_wait3A_119 = arith.constant 0 : i32
    %dma_wait3A_120 = arith.constant 0 : i32
    %dma_wait3A_121 = tpu.memref_slice %arg3[%dma_wait3A_119, %dma_wait3A_120] : memref<10000x128xf32, #tpu.memory_space<hbm>> -> memref<10000x128xf32, #tpu.memory_space<hbm>>
    tpu.wait_indirect_dma semaphore(%arg11 : memref<!tpu.dma_semaphore, #tpu.memory_space<semaphore_mem>>) src(%dma_wait3A_121 : memref<10000x128xf32, #tpu.memory_space<hbm>>) dst(%arg7 : memref<128x128xf32, #tpu.memory_space<vmem>>)
    %run_scoped3A = arith.constant 54 : i32
    "tpu.region"() ({
      %run_scoped3A_348 = tpu.sem_alloc : memref<!tpu.dma_semaphore, #tpu.memory_space<semaphore_mem>>
      %dma_start3A_349 = arith.constant 0 : i32
      %dma_start3A_350 = tpu.memref_slice %arg6[%run_scoped3A, %dma_start3A_349] : memref<56x128xi32, #tpu.memory_space<vmem>> -> memref<1x128xi32, #tpu.memory_space<vmem>>
      %dma_start3A_351 = tpu.memref_squeeze %dma_start3A_350 : memref<1x128xi32, #tpu.memory_space<vmem>> -> memref<128xi32, #tpu.memory_space<vmem>>
      %dma_start3A_352 = arith.constant 0 : i32
      %dma_start3A_353 = arith.constant 0 : i32
      %dma_start3A_354 = tpu.memref_slice %arg9[%dma_start3A_352, %dma_start3A_353] : memref<10240x128xf32, #tpu.memory_space<vmem_shared>> -> memref<10240x128xf32, #tpu.memory_space<vmem_shared>>
      tpu.enqueue_indirect_dma source(%arg7 : memref<128x128xf32, #tpu.memory_space<vmem>>) target(%dma_start3A_354 : memref<10240x128xf32, #tpu.memory_space<vmem_shared>>) offsets(%dma_start3A_351 : memref<128xi32, #tpu.memory_space<vmem>>) semaphore(%run_scoped3A_348 : memref<!tpu.dma_semaphore, #tpu.memory_space<semaphore_mem>>) {add = true}
      %dma_wait3A_355 = arith.constant 0 : i32
      %dma_wait3A_356 = tpu.memref_slice %arg6[%run_scoped3A, %dma_wait3A_355] : memref<56x128xi32, #tpu.memory_space<vmem>> -> memref<1x128xi32, #tpu.memory_space<vmem>>
      %dma_wait3A_357 = tpu.memref_squeeze %dma_wait3A_356 : memref<1x128xi32, #tpu.memory_space<vmem>> -> memref<128xi32, #tpu.memory_space<vmem>>
      %dma_wait3A_358 = arith.constant 0 : i32
      %dma_wait3A_359 = arith.constant 0 : i32
      %dma_wait3A_360 = tpu.memref_slice %arg9[%dma_wait3A_358, %dma_wait3A_359] : memref<10240x128xf32, #tpu.memory_space<vmem_shared>> -> memref<10240x128xf32, #tpu.memory_space<vmem_shared>>
      tpu.wait_indirect_dma semaphore(%run_scoped3A_348 : memref<!tpu.dma_semaphore, #tpu.memory_space<semaphore_mem>>) src(%arg7 : memref<128x128xf32, #tpu.memory_space<vmem>>) dst(%dma_wait3A_360 : memref<10240x128xf32, #tpu.memory_space<vmem_shared>>)
      tpu.yield
    }) : () -> ()
    %dma_wait3A_122 = arith.constant 55 : i32
    %dma_wait3A_123 = arith.constant 0 : i32
    %dma_wait3A_124 = tpu.memref_slice %arg5[%dma_wait3A_122, %dma_wait3A_123] : memref<56x128xi32, #tpu.memory_space<vmem>> -> memref<1x128xi32, #tpu.memory_space<vmem>>
    %dma_wait3A_125 = tpu.memref_squeeze %dma_wait3A_124 : memref<1x128xi32, #tpu.memory_space<vmem>> -> memref<128xi32, #tpu.memory_space<vmem>>
    %dma_wait3A_126 = arith.constant 0 : i32
    %dma_wait3A_127 = arith.constant 0 : i32
    %dma_wait3A_128 = tpu.memref_slice %arg3[%dma_wait3A_126, %dma_wait3A_127] : memref<10000x128xf32, #tpu.memory_space<hbm>> -> memref<10000x128xf32, #tpu.memory_space<hbm>>
    tpu.wait_indirect_dma semaphore(%arg12 : memref<!tpu.dma_semaphore, #tpu.memory_space<semaphore_mem>>) src(%dma_wait3A_128 : memref<10000x128xf32, #tpu.memory_space<hbm>>) dst(%arg8 : memref<128x128xf32, #tpu.memory_space<vmem>>)
    %run_scoped3A_129 = arith.constant 55 : i32
    "tpu.region"() ({
      %run_scoped3A_348 = tpu.sem_alloc : memref<!tpu.dma_semaphore, #tpu.memory_space<semaphore_mem>>
      %dma_start3A_349 = arith.constant 0 : i32
      %dma_start3A_350 = tpu.memref_slice %arg6[%run_scoped3A_129, %dma_start3A_349] : memref<56x128xi32, #tpu.memory_space<vmem>> -> memref<1x128xi32, #tpu.memory_space<vmem>>
      %dma_start3A_351 = tpu.memref_squeeze %dma_start3A_350 : memref<1x128xi32, #tpu.memory_space<vmem>> -> memref<128xi32, #tpu.memory_space<vmem>>
      %dma_start3A_352 = arith.constant 0 : i32
      %dma_start3A_353 = arith.constant 0 : i32
      %dma_start3A_354 = tpu.memref_slice %arg9[%dma_start3A_352, %dma_start3A_353] : memref<10240x128xf32, #tpu.memory_space<vmem_shared>> -> memref<10240x128xf32, #tpu.memory_space<vmem_shared>>
      tpu.enqueue_indirect_dma source(%arg8 : memref<128x128xf32, #tpu.memory_space<vmem>>) target(%dma_start3A_354 : memref<10240x128xf32, #tpu.memory_space<vmem_shared>>) offsets(%dma_start3A_351 : memref<128xi32, #tpu.memory_space<vmem>>) semaphore(%run_scoped3A_348 : memref<!tpu.dma_semaphore, #tpu.memory_space<semaphore_mem>>) {add = true}
      %dma_wait3A_355 = arith.constant 0 : i32
      %dma_wait3A_356 = tpu.memref_slice %arg6[%run_scoped3A_129, %dma_wait3A_355] : memref<56x128xi32, #tpu.memory_space<vmem>> -> memref<1x128xi32, #tpu.memory_space<vmem>>
      %dma_wait3A_357 = tpu.memref_squeeze %dma_wait3A_356 : memref<1x128xi32, #tpu.memory_space<vmem>> -> memref<128xi32, #tpu.memory_space<vmem>>
      %dma_wait3A_358 = arith.constant 0 : i32
      %dma_wait3A_359 = arith.constant 0 : i32
      %dma_wait3A_360 = tpu.memref_slice %arg9[%dma_wait3A_358, %dma_wait3A_359] : memref<10240x128xf32, #tpu.memory_space<vmem_shared>> -> memref<10240x128xf32, #tpu.memory_space<vmem_shared>>
      tpu.wait_indirect_dma semaphore(%run_scoped3A_348 : memref<!tpu.dma_semaphore, #tpu.memory_space<semaphore_mem>>) src(%arg8 : memref<128x128xf32, #tpu.memory_space<vmem>>) dst(%dma_wait3A_360 : memref<10240x128xf32, #tpu.memory_space<vmem_shared>>)
      tpu.yield
    }) : () -> ()
    %add3A_130 = arith.constant 56 : i32
    %add3A_131 = arith.addi %mul3A_6, %add3A_130 : i32
    %dma_start3A_132 = arith.constant 0 : i32
    %dma_start3A_133 = arith.constant 0 : i32
    %dma_start3A_134 = arith.constant 0 : i32
    %dma_start3A_135 = tpu.memref_slice %arg5[%dma_start3A_133, %dma_start3A_134] : memref<56x128xi32, #tpu.memory_space<vmem>> -> memref<16x128xi32, #tpu.memory_space<vmem>>
    %dma_start3A_136 = arith.constant 0 : i32
    %dma_start3A_137 = tpu.memref_slice %arg2[%dma_start3A_132, %add3A_131, %dma_start3A_136] : memref<2x2500x128xi32, #tpu.memory_space<hbm>> -> memref<1x16x128xi32, #tpu.memory_space<hbm>>
    %dma_start3A_138 = tpu.memref_squeeze %dma_start3A_137 : memref<1x16x128xi32, #tpu.memory_space<hbm>> -> memref<16x128xi32, #tpu.memory_space<hbm>>
    %dma_start3A_139 = arith.constant 0 : i32
    %dma_start3A_140 = arith.constant 0 : i32
    %dma_start3A_141 = tpu.memref_slice %arg5[%dma_start3A_139, %dma_start3A_140] : memref<56x128xi32, #tpu.memory_space<vmem>> -> memref<16x128xi32, #tpu.memory_space<vmem>>
    %dma_start3A_142 = arith.constant 0 : i32
    %dma_start3A_143 = tpu.memref_slice %arg2[%dma_start3A_132, %add3A_131, %dma_start3A_142] : memref<2x2500x128xi32, #tpu.memory_space<hbm>> -> memref<1x16x128xi32, #tpu.memory_space<hbm>>
    %dma_start3A_144 = tpu.memref_squeeze %dma_start3A_143 : memref<1x16x128xi32, #tpu.memory_space<hbm>> -> memref<16x128xi32, #tpu.memory_space<hbm>>
    tpu.enqueue_dma source(%dma_start3A_144 : memref<16x128xi32, #tpu.memory_space<hbm>>) target(%dma_start3A_141 : memref<16x128xi32, #tpu.memory_space<vmem>>) target_semaphore(%arg10 : memref<!tpu.dma_semaphore, #tpu.memory_space<semaphore_mem>>)
    %dma_start3A_145 = arith.constant 1 : i32
    %dma_start3A_146 = arith.constant 0 : i32
    %dma_start3A_147 = arith.constant 0 : i32
    %dma_start3A_148 = tpu.memref_slice %arg6[%dma_start3A_146, %dma_start3A_147] : memref<56x128xi32, #tpu.memory_space<vmem>> -> memref<16x128xi32, #tpu.memory_space<vmem>>
    %dma_start3A_149 = arith.constant 0 : i32
    %dma_start3A_150 = tpu.memref_slice %arg2[%dma_start3A_145, %add3A_131, %dma_start3A_149] : memref<2x2500x128xi32, #tpu.memory_space<hbm>> -> memref<1x16x128xi32, #tpu.memory_space<hbm>>
    %dma_start3A_151 = tpu.memref_squeeze %dma_start3A_150 : memref<1x16x128xi32, #tpu.memory_space<hbm>> -> memref<16x128xi32, #tpu.memory_space<hbm>>
    %dma_start3A_152 = arith.constant 0 : i32
    %dma_start3A_153 = arith.constant 0 : i32
    %dma_start3A_154 = tpu.memref_slice %arg6[%dma_start3A_152, %dma_start3A_153] : memref<56x128xi32, #tpu.memory_space<vmem>> -> memref<16x128xi32, #tpu.memory_space<vmem>>
    %dma_start3A_155 = arith.constant 0 : i32
    %dma_start3A_156 = tpu.memref_slice %arg2[%dma_start3A_145, %add3A_131, %dma_start3A_155] : memref<2x2500x128xi32, #tpu.memory_space<hbm>> -> memref<1x16x128xi32, #tpu.memory_space<hbm>>
    %dma_start3A_157 = tpu.memref_squeeze %dma_start3A_156 : memref<1x16x128xi32, #tpu.memory_space<hbm>> -> memref<16x128xi32, #tpu.memory_space<hbm>>
    tpu.enqueue_dma source(%dma_start3A_157 : memref<16x128xi32, #tpu.memory_space<hbm>>) target(%dma_start3A_154 : memref<16x128xi32, #tpu.memory_space<vmem>>) target_semaphore(%arg10 : memref<!tpu.dma_semaphore, #tpu.memory_space<semaphore_mem>>)
    %lt3A_158 = arith.constant 24 : i32
    %lt3A_159 = arith.cmpi slt, %add3A, %lt3A_158 : i32
    %convert_element_type3A = arith.extui %lt3A_159 : i1 to i32
    %cond3A = arith.constant 0 : i32
    %cond3A_160 = arith.cmpi ne, %convert_element_type3A, %cond3A : i32
    scf.if %cond3A_160 {
      %add3A_348 = arith.constant 16 : i32
      %add3A_349 = arith.addi %add3A_131, %add3A_348 : i32
      %run_scoped3A_350 = arith.constant 0 : i32
      "tpu.region"() ({
        %run_scoped3A_354 = tpu.sem_alloc : memref<!tpu.dma_semaphore, #tpu.memory_space<semaphore_mem>>
        %dma_start3A_355 = arith.constant 16 : i32
        %dma_start3A_356 = arith.constant 0 : i32
        %dma_start3A_357 = tpu.memref_slice %arg5[%dma_start3A_355, %dma_start3A_356] : memref<56x128xi32, #tpu.memory_space<vmem>> -> memref<8x128xi32, #tpu.memory_space<vmem>>
        %dma_start3A_358 = arith.constant 0 : i32
        %dma_start3A_359 = tpu.memref_slice %arg2[%run_scoped3A_350, %add3A_349, %dma_start3A_358] : memref<2x2500x128xi32, #tpu.memory_space<hbm>> -> memref<1x8x128xi32, #tpu.memory_space<hbm>>
        %dma_start3A_360 = tpu.memref_squeeze %dma_start3A_359 : memref<1x8x128xi32, #tpu.memory_space<hbm>> -> memref<8x128xi32, #tpu.memory_space<hbm>>
        %dma_start3A_361 = arith.constant 16 : i32
        %dma_start3A_362 = arith.constant 0 : i32
        %dma_start3A_363 = tpu.memref_slice %arg5[%dma_start3A_361, %dma_start3A_362] : memref<56x128xi32, #tpu.memory_space<vmem>> -> memref<8x128xi32, #tpu.memory_space<vmem>>
        %dma_start3A_364 = arith.constant 0 : i32
        %dma_start3A_365 = tpu.memref_slice %arg2[%run_scoped3A_350, %add3A_349, %dma_start3A_364] : memref<2x2500x128xi32, #tpu.memory_space<hbm>> -> memref<1x8x128xi32, #tpu.memory_space<hbm>>
        %dma_start3A_366 = tpu.memref_squeeze %dma_start3A_365 : memref<1x8x128xi32, #tpu.memory_space<hbm>> -> memref<8x128xi32, #tpu.memory_space<hbm>>
        tpu.enqueue_dma source(%dma_start3A_366 : memref<8x128xi32, #tpu.memory_space<hbm>>) target(%dma_start3A_363 : memref<8x128xi32, #tpu.memory_space<vmem>>) target_semaphore(%run_scoped3A_354 : memref<!tpu.dma_semaphore, #tpu.memory_space<semaphore_mem>>)
        %dma_wait3A_367 = arith.constant 16 : i32
        %dma_wait3A_368 = arith.constant 0 : i32
        %dma_wait3A_369 = tpu.memref_slice %arg5[%dma_wait3A_367, %dma_wait3A_368] : memref<56x128xi32, #tpu.memory_space<vmem>> -> memref<8x128xi32, #tpu.memory_space<vmem>>
        %dma_wait3A_370 = arith.constant 0 : i32
        %dma_wait3A_371 = tpu.memref_slice %arg2[%run_scoped3A_350, %add3A_349, %dma_wait3A_370] : memref<2x2500x128xi32, #tpu.memory_space<hbm>> -> memref<1x8x128xi32, #tpu.memory_space<hbm>>
        %dma_wait3A_372 = tpu.memref_squeeze %dma_wait3A_371 : memref<1x8x128xi32, #tpu.memory_space<hbm>> -> memref<8x128xi32, #tpu.memory_space<hbm>>
        %dma_wait3A_373 = arith.constant 16 : i32
        %dma_wait3A_374 = arith.constant 0 : i32
        %dma_wait3A_375 = tpu.memref_slice %arg5[%dma_wait3A_373, %dma_wait3A_374] : memref<56x128xi32, #tpu.memory_space<vmem>> -> memref<8x128xi32, #tpu.memory_space<vmem>>
        %dma_wait3A_376 = arith.constant 0 : i32
        %dma_wait3A_377 = tpu.memref_slice %arg2[%run_scoped3A_350, %add3A_349, %dma_wait3A_376] : memref<2x2500x128xi32, #tpu.memory_space<hbm>> -> memref<1x8x128xi32, #tpu.memory_space<hbm>>
        %dma_wait3A_378 = tpu.memref_squeeze %dma_wait3A_377 : memref<1x8x128xi32, #tpu.memory_space<hbm>> -> memref<8x128xi32, #tpu.memory_space<hbm>>
        tpu.wait_dma2 semaphore(%run_scoped3A_354 : memref<!tpu.dma_semaphore, #tpu.memory_space<semaphore_mem>>) src(%dma_wait3A_378 : memref<8x128xi32, #tpu.memory_space<hbm>>) dst(%dma_wait3A_375 : memref<8x128xi32, #tpu.memory_space<vmem>>)
        tpu.yield
      }) : () -> ()
      %add3A_351 = arith.constant 16 : i32
      %add3A_352 = arith.addi %add3A_131, %add3A_351 : i32
      %run_scoped3A_353 = arith.constant 1 : i32
      "tpu.region"() ({
        %run_scoped3A_354 = tpu.sem_alloc : memref<!tpu.dma_semaphore, #tpu.memory_space<semaphore_mem>>
        %dma_start3A_355 = arith.constant 16 : i32
        %dma_start3A_356 = arith.constant 0 : i32
        %dma_start3A_357 = tpu.memref_slice %arg6[%dma_start3A_355, %dma_start3A_356] : memref<56x128xi32, #tpu.memory_space<vmem>> -> memref<8x128xi32, #tpu.memory_space<vmem>>
        %dma_start3A_358 = arith.constant 0 : i32
        %dma_start3A_359 = tpu.memref_slice %arg2[%run_scoped3A_353, %add3A_352, %dma_start3A_358] : memref<2x2500x128xi32, #tpu.memory_space<hbm>> -> memref<1x8x128xi32, #tpu.memory_space<hbm>>
        %dma_start3A_360 = tpu.memref_squeeze %dma_start3A_359 : memref<1x8x128xi32, #tpu.memory_space<hbm>> -> memref<8x128xi32, #tpu.memory_space<hbm>>
        %dma_start3A_361 = arith.constant 16 : i32
        %dma_start3A_362 = arith.constant 0 : i32
        %dma_start3A_363 = tpu.memref_slice %arg6[%dma_start3A_361, %dma_start3A_362] : memref<56x128xi32, #tpu.memory_space<vmem>> -> memref<8x128xi32, #tpu.memory_space<vmem>>
        %dma_start3A_364 = arith.constant 0 : i32
        %dma_start3A_365 = tpu.memref_slice %arg2[%run_scoped3A_353, %add3A_352, %dma_start3A_364] : memref<2x2500x128xi32, #tpu.memory_space<hbm>> -> memref<1x8x128xi32, #tpu.memory_space<hbm>>
        %dma_start3A_366 = tpu.memref_squeeze %dma_start3A_365 : memref<1x8x128xi32, #tpu.memory_space<hbm>> -> memref<8x128xi32, #tpu.memory_space<hbm>>
        tpu.enqueue_dma source(%dma_start3A_366 : memref<8x128xi32, #tpu.memory_space<hbm>>) target(%dma_start3A_363 : memref<8x128xi32, #tpu.memory_space<vmem>>) target_semaphore(%run_scoped3A_354 : memref<!tpu.dma_semaphore, #tpu.memory_space<semaphore_mem>>)
        %dma_wait3A_367 = arith.constant 16 : i32
        %dma_wait3A_368 = arith.constant 0 : i32
        %dma_wait3A_369 = tpu.memref_slice %arg6[%dma_wait3A_367, %dma_wait3A_368] : memref<56x128xi32, #tpu.memory_space<vmem>> -> memref<8x128xi32, #tpu.memory_space<vmem>>
        %dma_wait3A_370 = arith.constant 0 : i32
        %dma_wait3A_371 = tpu.memref_slice %arg2[%run_scoped3A_353, %add3A_352, %dma_wait3A_370] : memref<2x2500x128xi32, #tpu.memory_space<hbm>> -> memref<1x8x128xi32, #tpu.memory_space<hbm>>
        %dma_wait3A_372 = tpu.memref_squeeze %dma_wait3A_371 : memref<1x8x128xi32, #tpu.memory_space<hbm>> -> memref<8x128xi32, #tpu.memory_space<hbm>>
        %dma_wait3A_373 = arith.constant 16 : i32
        %dma_wait3A_374 = arith.constant 0 : i32
        %dma_wait3A_375 = tpu.memref_slice %arg6[%dma_wait3A_373, %dma_wait3A_374] : memref<56x128xi32, #tpu.memory_space<vmem>> -> memref<8x128xi32, #tpu.memory_space<vmem>>
        %dma_wait3A_376 = arith.constant 0 : i32
        %dma_wait3A_377 = tpu.memref_slice %arg2[%run_scoped3A_353, %add3A_352, %dma_wait3A_376] : memref<2x2500x128xi32, #tpu.memory_space<hbm>> -> memref<1x8x128xi32, #tpu.memory_space<hbm>>
        %dma_wait3A_378 = tpu.memref_squeeze %dma_wait3A_377 : memref<1x8x128xi32, #tpu.memory_space<hbm>> -> memref<8x128xi32, #tpu.memory_space<hbm>>
        tpu.wait_dma2 semaphore(%run_scoped3A_354 : memref<!tpu.dma_semaphore, #tpu.memory_space<semaphore_mem>>) src(%dma_wait3A_378 : memref<8x128xi32, #tpu.memory_space<hbm>>) dst(%dma_wait3A_375 : memref<8x128xi32, #tpu.memory_space<vmem>>)
        tpu.yield
      }) : () -> ()
    } else {
    }
    %eq3A_161 = arith.constant 31 : i32
    %eq3A_162 = arith.cmpi eq, %add3A, %eq3A_161 : i32
    %convert_element_type3A_163 = arith.extui %eq3A_162 : i1 to i32
    %cond3A_164 = arith.constant 0 : i32
    %cond3A_165 = arith.cmpi ne, %convert_element_type3A_163, %cond3A_164 : i32
    scf.if %cond3A_165 {
      %add3A_348 = arith.constant 16 : i32
      %add3A_349 = arith.addi %add3A_131, %add3A_348 : i32
      %run_scoped3A_350 = arith.constant 0 : i32
      "tpu.region"() ({
        %run_scoped3A_354 = tpu.sem_alloc : memref<!tpu.dma_semaphore, #tpu.memory_space<semaphore_mem>>
        %dma_start3A_355 = arith.constant 16 : i32
        %dma_start3A_356 = arith.constant 0 : i32
        %dma_start3A_357 = tpu.memref_slice %arg5[%dma_start3A_355, %dma_start3A_356] : memref<56x128xi32, #tpu.memory_space<vmem>> -> memref<4x128xi32, #tpu.memory_space<vmem>>
        %dma_start3A_358 = arith.constant 0 : i32
        %dma_start3A_359 = tpu.memref_slice %arg2[%run_scoped3A_350, %add3A_349, %dma_start3A_358] : memref<2x2500x128xi32, #tpu.memory_space<hbm>> -> memref<1x4x128xi32, #tpu.memory_space<hbm>>
        %dma_start3A_360 = tpu.memref_squeeze %dma_start3A_359 : memref<1x4x128xi32, #tpu.memory_space<hbm>> -> memref<4x128xi32, #tpu.memory_space<hbm>>
        %dma_start3A_361 = arith.constant 16 : i32
        %dma_start3A_362 = arith.constant 0 : i32
        %dma_start3A_363 = tpu.memref_slice %arg5[%dma_start3A_361, %dma_start3A_362] : memref<56x128xi32, #tpu.memory_space<vmem>> -> memref<4x128xi32, #tpu.memory_space<vmem>>
        %dma_start3A_364 = arith.constant 0 : i32
        %dma_start3A_365 = tpu.memref_slice %arg2[%run_scoped3A_350, %add3A_349, %dma_start3A_364] : memref<2x2500x128xi32, #tpu.memory_space<hbm>> -> memref<1x4x128xi32, #tpu.memory_space<hbm>>
        %dma_start3A_366 = tpu.memref_squeeze %dma_start3A_365 : memref<1x4x128xi32, #tpu.memory_space<hbm>> -> memref<4x128xi32, #tpu.memory_space<hbm>>
        tpu.enqueue_dma source(%dma_start3A_366 : memref<4x128xi32, #tpu.memory_space<hbm>>) target(%dma_start3A_363 : memref<4x128xi32, #tpu.memory_space<vmem>>) target_semaphore(%run_scoped3A_354 : memref<!tpu.dma_semaphore, #tpu.memory_space<semaphore_mem>>)
        %dma_wait3A_367 = arith.constant 16 : i32
        %dma_wait3A_368 = arith.constant 0 : i32
        %dma_wait3A_369 = tpu.memref_slice %arg5[%dma_wait3A_367, %dma_wait3A_368] : memref<56x128xi32, #tpu.memory_space<vmem>> -> memref<4x128xi32, #tpu.memory_space<vmem>>
        %dma_wait3A_370 = arith.constant 0 : i32
        %dma_wait3A_371 = tpu.memref_slice %arg2[%run_scoped3A_350, %add3A_349, %dma_wait3A_370] : memref<2x2500x128xi32, #tpu.memory_space<hbm>> -> memref<1x4x128xi32, #tpu.memory_space<hbm>>
        %dma_wait3A_372 = tpu.memref_squeeze %dma_wait3A_371 : memref<1x4x128xi32, #tpu.memory_space<hbm>> -> memref<4x128xi32, #tpu.memory_space<hbm>>
        %dma_wait3A_373 = arith.constant 16 : i32
        %dma_wait3A_374 = arith.constant 0 : i32
        %dma_wait3A_375 = tpu.memref_slice %arg5[%dma_wait3A_373, %dma_wait3A_374] : memref<56x128xi32, #tpu.memory_space<vmem>> -> memref<4x128xi32, #tpu.memory_space<vmem>>
        %dma_wait3A_376 = arith.constant 0 : i32
        %dma_wait3A_377 = tpu.memref_slice %arg2[%run_scoped3A_350, %add3A_349, %dma_wait3A_376] : memref<2x2500x128xi32, #tpu.memory_space<hbm>> -> memref<1x4x128xi32, #tpu.memory_space<hbm>>
        %dma_wait3A_378 = tpu.memref_squeeze %dma_wait3A_377 : memref<1x4x128xi32, #tpu.memory_space<hbm>> -> memref<4x128xi32, #tpu.memory_space<hbm>>
        tpu.wait_dma2 semaphore(%run_scoped3A_354 : memref<!tpu.dma_semaphore, #tpu.memory_space<semaphore_mem>>) src(%dma_wait3A_378 : memref<4x128xi32, #tpu.memory_space<hbm>>) dst(%dma_wait3A_375 : memref<4x128xi32, #tpu.memory_space<vmem>>)
        tpu.yield
      }) : () -> ()
      %add3A_351 = arith.constant 16 : i32
      %add3A_352 = arith.addi %add3A_131, %add3A_351 : i32
      %run_scoped3A_353 = arith.constant 1 : i32
      "tpu.region"() ({
        %run_scoped3A_354 = tpu.sem_alloc : memref<!tpu.dma_semaphore, #tpu.memory_space<semaphore_mem>>
        %dma_start3A_355 = arith.constant 16 : i32
        %dma_start3A_356 = arith.constant 0 : i32
        %dma_start3A_357 = tpu.memref_slice %arg6[%dma_start3A_355, %dma_start3A_356] : memref<56x128xi32, #tpu.memory_space<vmem>> -> memref<4x128xi32, #tpu.memory_space<vmem>>
        %dma_start3A_358 = arith.constant 0 : i32
        %dma_start3A_359 = tpu.memref_slice %arg2[%run_scoped3A_353, %add3A_352, %dma_start3A_358] : memref<2x2500x128xi32, #tpu.memory_space<hbm>> -> memref<1x4x128xi32, #tpu.memory_space<hbm>>
        %dma_start3A_360 = tpu.memref_squeeze %dma_start3A_359 : memref<1x4x128xi32, #tpu.memory_space<hbm>> -> memref<4x128xi32, #tpu.memory_space<hbm>>
        %dma_start3A_361 = arith.constant 16 : i32
        %dma_start3A_362 = arith.constant 0 : i32
        %dma_start3A_363 = tpu.memref_slice %arg6[%dma_start3A_361, %dma_start3A_362] : memref<56x128xi32, #tpu.memory_space<vmem>> -> memref<4x128xi32, #tpu.memory_space<vmem>>
        %dma_start3A_364 = arith.constant 0 : i32
        %dma_start3A_365 = tpu.memref_slice %arg2[%run_scoped3A_353, %add3A_352, %dma_start3A_364] : memref<2x2500x128xi32, #tpu.memory_space<hbm>> -> memref<1x4x128xi32, #tpu.memory_space<hbm>>
        %dma_start3A_366 = tpu.memref_squeeze %dma_start3A_365 : memref<1x4x128xi32, #tpu.memory_space<hbm>> -> memref<4x128xi32, #tpu.memory_space<hbm>>
        tpu.enqueue_dma source(%dma_start3A_366 : memref<4x128xi32, #tpu.memory_space<hbm>>) target(%dma_start3A_363 : memref<4x128xi32, #tpu.memory_space<vmem>>) target_semaphore(%run_scoped3A_354 : memref<!tpu.dma_semaphore, #tpu.memory_space<semaphore_mem>>)
        %dma_wait3A_367 = arith.constant 16 : i32
        %dma_wait3A_368 = arith.constant 0 : i32
        %dma_wait3A_369 = tpu.memref_slice %arg6[%dma_wait3A_367, %dma_wait3A_368] : memref<56x128xi32, #tpu.memory_space<vmem>> -> memref<4x128xi32, #tpu.memory_space<vmem>>
        %dma_wait3A_370 = arith.constant 0 : i32
        %dma_wait3A_371 = tpu.memref_slice %arg2[%run_scoped3A_353, %add3A_352, %dma_wait3A_370] : memref<2x2500x128xi32, #tpu.memory_space<hbm>> -> memref<1x4x128xi32, #tpu.memory_space<hbm>>
        %dma_wait3A_372 = tpu.memref_squeeze %dma_wait3A_371 : memref<1x4x128xi32, #tpu.memory_space<hbm>> -> memref<4x128xi32, #tpu.memory_space<hbm>>
        %dma_wait3A_373 = arith.constant 16 : i32
        %dma_wait3A_374 = arith.constant 0 : i32
        %dma_wait3A_375 = tpu.memref_slice %arg6[%dma_wait3A_373, %dma_wait3A_374] : memref<56x128xi32, #tpu.memory_space<vmem>> -> memref<4x128xi32, #tpu.memory_space<vmem>>
        %dma_wait3A_376 = arith.constant 0 : i32
        %dma_wait3A_377 = tpu.memref_slice %arg2[%run_scoped3A_353, %add3A_352, %dma_wait3A_376] : memref<2x2500x128xi32, #tpu.memory_space<hbm>> -> memref<1x4x128xi32, #tpu.memory_space<hbm>>
        %dma_wait3A_378 = tpu.memref_squeeze %dma_wait3A_377 : memref<1x4x128xi32, #tpu.memory_space<hbm>> -> memref<4x128xi32, #tpu.memory_space<hbm>>
        tpu.wait_dma2 semaphore(%run_scoped3A_354 : memref<!tpu.dma_semaphore, #tpu.memory_space<semaphore_mem>>) src(%dma_wait3A_378 : memref<4x128xi32, #tpu.memory_space<hbm>>) dst(%dma_wait3A_375 : memref<4x128xi32, #tpu.memory_space<vmem>>)
        tpu.yield
      }) : () -> ()
    } else {
    }
    %dma_wait3A_166 = arith.constant 0 : i32
    %dma_wait3A_167 = arith.constant 0 : i32
    %dma_wait3A_168 = arith.constant 0 : i32
    %dma_wait3A_169 = tpu.memref_slice %arg5[%dma_wait3A_167, %dma_wait3A_168] : memref<56x128xi32, #tpu.memory_space<vmem>> -> memref<16x128xi32, #tpu.memory_space<vmem>>
    %dma_wait3A_170 = arith.constant 0 : i32
    %dma_wait3A_171 = tpu.memref_slice %arg2[%dma_wait3A_166, %add3A_131, %dma_wait3A_170] : memref<2x2500x128xi32, #tpu.memory_space<hbm>> -> memref<1x16x128xi32, #tpu.memory_space<hbm>>
    %dma_wait3A_172 = tpu.memref_squeeze %dma_wait3A_171 : memref<1x16x128xi32, #tpu.memory_space<hbm>> -> memref<16x128xi32, #tpu.memory_space<hbm>>
    %dma_wait3A_173 = arith.constant 0 : i32
    %dma_wait3A_174 = arith.constant 0 : i32
    %dma_wait3A_175 = tpu.memref_slice %arg5[%dma_wait3A_173, %dma_wait3A_174] : memref<56x128xi32, #tpu.memory_space<vmem>> -> memref<16x128xi32, #tpu.memory_space<vmem>>
    %dma_wait3A_176 = arith.constant 0 : i32
    %dma_wait3A_177 = tpu.memref_slice %arg2[%dma_wait3A_166, %add3A_131, %dma_wait3A_176] : memref<2x2500x128xi32, #tpu.memory_space<hbm>> -> memref<1x16x128xi32, #tpu.memory_space<hbm>>
    %dma_wait3A_178 = tpu.memref_squeeze %dma_wait3A_177 : memref<1x16x128xi32, #tpu.memory_space<hbm>> -> memref<16x128xi32, #tpu.memory_space<hbm>>
    tpu.wait_dma2 semaphore(%arg10 : memref<!tpu.dma_semaphore, #tpu.memory_space<semaphore_mem>>) src(%dma_wait3A_178 : memref<16x128xi32, #tpu.memory_space<hbm>>) dst(%dma_wait3A_175 : memref<16x128xi32, #tpu.memory_space<vmem>>)
    %dma_wait3A_179 = arith.constant 1 : i32
    %dma_wait3A_180 = arith.constant 0 : i32
    %dma_wait3A_181 = arith.constant 0 : i32
    %dma_wait3A_182 = tpu.memref_slice %arg6[%dma_wait3A_180, %dma_wait3A_181] : memref<56x128xi32, #tpu.memory_space<vmem>> -> memref<16x128xi32, #tpu.memory_space<vmem>>
    %dma_wait3A_183 = arith.constant 0 : i32
    %dma_wait3A_184 = tpu.memref_slice %arg2[%dma_wait3A_179, %add3A_131, %dma_wait3A_183] : memref<2x2500x128xi32, #tpu.memory_space<hbm>> -> memref<1x16x128xi32, #tpu.memory_space<hbm>>
    %dma_wait3A_185 = tpu.memref_squeeze %dma_wait3A_184 : memref<1x16x128xi32, #tpu.memory_space<hbm>> -> memref<16x128xi32, #tpu.memory_space<hbm>>
    %dma_wait3A_186 = arith.constant 0 : i32
    %dma_wait3A_187 = arith.constant 0 : i32
    %dma_wait3A_188 = tpu.memref_slice %arg6[%dma_wait3A_186, %dma_wait3A_187] : memref<56x128xi32, #tpu.memory_space<vmem>> -> memref<16x128xi32, #tpu.memory_space<vmem>>
    %dma_wait3A_189 = arith.constant 0 : i32
    %dma_wait3A_190 = tpu.memref_slice %arg2[%dma_wait3A_179, %add3A_131, %dma_wait3A_189] : memref<2x2500x128xi32, #tpu.memory_space<hbm>> -> memref<1x16x128xi32, #tpu.memory_space<hbm>>
    %dma_wait3A_191 = tpu.memref_squeeze %dma_wait3A_190 : memref<1x16x128xi32, #tpu.memory_space<hbm>> -> memref<16x128xi32, #tpu.memory_space<hbm>>
    tpu.wait_dma2 semaphore(%arg10 : memref<!tpu.dma_semaphore, #tpu.memory_space<semaphore_mem>>) src(%dma_wait3A_191 : memref<16x128xi32, #tpu.memory_space<hbm>>) dst(%dma_wait3A_188 : memref<16x128xi32, #tpu.memory_space<vmem>>)
    %sub3A = arith.constant 56 : i32
    %sub3A_192 = arith.subi %select_n3A_11, %sub3A : i32
    %dma_start3A_193 = arith.constant 0 : i32
    %dma_start3A_194 = arith.constant 0 : i32
    %dma_start3A_195 = tpu.memref_slice %arg5[%dma_start3A_193, %dma_start3A_194] : memref<56x128xi32, #tpu.memory_space<vmem>> -> memref<1x128xi32, #tpu.memory_space<vmem>>
    %dma_start3A_196 = tpu.memref_squeeze %dma_start3A_195 : memref<1x128xi32, #tpu.memory_space<vmem>> -> memref<128xi32, #tpu.memory_space<vmem>>
    %dma_start3A_197 = arith.constant 0 : i32
    %dma_start3A_198 = arith.constant 0 : i32
    %dma_start3A_199 = tpu.memref_slice %arg3[%dma_start3A_197, %dma_start3A_198] : memref<10000x128xf32, #tpu.memory_space<hbm>> -> memref<10000x128xf32, #tpu.memory_space<hbm>>
    tpu.enqueue_indirect_dma source(%dma_start3A_199 : memref<10000x128xf32, #tpu.memory_space<hbm>>) target(%arg7 : memref<128x128xf32, #tpu.memory_space<vmem>>) offsets(%dma_start3A_196 : memref<128xi32, #tpu.memory_space<vmem>>) semaphore(%arg11 : memref<!tpu.dma_semaphore, #tpu.memory_space<semaphore_mem>>)
    %dma_start3A_200 = arith.constant 1 : i32
    %dma_start3A_201 = arith.constant 0 : i32
    %dma_start3A_202 = tpu.memref_slice %arg5[%dma_start3A_200, %dma_start3A_201] : memref<56x128xi32, #tpu.memory_space<vmem>> -> memref<1x128xi32, #tpu.memory_space<vmem>>
    %dma_start3A_203 = tpu.memref_squeeze %dma_start3A_202 : memref<1x128xi32, #tpu.memory_space<vmem>> -> memref<128xi32, #tpu.memory_space<vmem>>
    %dma_start3A_204 = arith.constant 0 : i32
    %dma_start3A_205 = arith.constant 0 : i32
    %dma_start3A_206 = tpu.memref_slice %arg3[%dma_start3A_204, %dma_start3A_205] : memref<10000x128xf32, #tpu.memory_space<hbm>> -> memref<10000x128xf32, #tpu.memory_space<hbm>>
    tpu.enqueue_indirect_dma source(%dma_start3A_206 : memref<10000x128xf32, #tpu.memory_space<hbm>>) target(%arg8 : memref<128x128xf32, #tpu.memory_space<vmem>>) offsets(%dma_start3A_203 : memref<128xi32, #tpu.memory_space<vmem>>) semaphore(%arg12 : memref<!tpu.dma_semaphore, #tpu.memory_space<semaphore_mem>>)
    %sub3A_207 = arith.constant 2 : i32
    %sub3A_208 = arith.subi %sub3A_192, %sub3A_207 : i32
    %jit3A_209 = arith.constant 2 : i32
    %div3A = arith.divsi %sub3A_208, %jit3A_209 : i32
    %sign3A = arith.constant 0 : i32
    %sign3A_210 = arith.cmpi sgt, %sub3A_208, %sign3A : i32
    %sign3A_211 = arith.extui %sign3A_210 : i1 to i32
    %sign3A_212 = arith.constant 0 : i32
    %sign3A_213 = arith.cmpi slt, %sub3A_208, %sign3A_212 : i32
    %sign3A_214 = arith.extui %sign3A_213 : i1 to i32
    %sign3A_215 = arith.subi %sign3A_211, %sign3A_214 : i32
    %sign3A_216 = arith.constant 0 : i32
    %sign3A_217 = arith.cmpi sgt, %jit3A_209, %sign3A_216 : i32
    %sign3A_218 = arith.extui %sign3A_217 : i1 to i32
    %sign3A_219 = arith.constant 0 : i32
    %sign3A_220 = arith.cmpi slt, %jit3A_209, %sign3A_219 : i32
    %sign3A_221 = arith.extui %sign3A_220 : i1 to i32
    %sign3A_222 = arith.subi %sign3A_218, %sign3A_221 : i32
    %ne3A = arith.cmpi ne, %sign3A_215, %sign3A_222 : i32
    %rem3A = arith.remsi %sub3A_208, %jit3A_209 : i32
    %ne3A_223 = arith.constant 0 : i32
    %ne3A_224 = arith.cmpi ne, %rem3A, %ne3A_223 : i32
    %and3A = arith.andi %ne3A, %ne3A_224 : i1
    %sub3A_225 = arith.constant 1 : i32
    %sub3A_226 = arith.subi %div3A, %sub3A_225 : i32
    %select_n3A_227 = arith.select %and3A, %sub3A_226, %div3A : i32
    %while3A = arith.constant 0 : i32
    %while3A_228 = arith.constant 0 : i32
    %while3A_229 = arith.subi %select_n3A_227, %while3A_228 : i32
    %while3A_230 = arith.addi %while3A_228, %while3A_229 : i32
    %while3A_231 = arith.constant 1 : i32
    %while3A_232 = arith.divsi %while3A_229, %while3A_231 : i32
    %while3A_233 = arith.muli %while3A_232, %while3A_231 : i32
    %while3A_234 = arith.addi %while3A_228, %while3A_233 : i32
    %while3A_235 = arith.constant 1 : i32
    scf.for %while3A_348 = %while3A_228 to %while3A_234 step %while3A_235  : i32 {
      %mul3A_349 = arith.constant 2 : i32
      %mul3A_350 = arith.muli %mul3A_349, %while3A_348 : i32
      %dma_wait3A_351 = arith.constant 0 : i32
      %dma_wait3A_352 = tpu.memref_slice %arg5[%mul3A_350, %dma_wait3A_351] : memref<56x128xi32, #tpu.memory_space<vmem>> -> memref<1x128xi32, #tpu.memory_space<vmem>>
      %dma_wait3A_353 = tpu.memref_squeeze %dma_wait3A_352 : memref<1x128xi32, #tpu.memory_space<vmem>> -> memref<128xi32, #tpu.memory_space<vmem>>
      %dma_wait3A_354 = arith.constant 0 : i32
      %dma_wait3A_355 = arith.constant 0 : i32
      %dma_wait3A_356 = tpu.memref_slice %arg3[%dma_wait3A_354, %dma_wait3A_355] : memref<10000x128xf32, #tpu.memory_space<hbm>> -> memref<10000x128xf32, #tpu.memory_space<hbm>>
      tpu.wait_indirect_dma semaphore(%arg11 : memref<!tpu.dma_semaphore, #tpu.memory_space<semaphore_mem>>) src(%dma_wait3A_356 : memref<10000x128xf32, #tpu.memory_space<hbm>>) dst(%arg7 : memref<128x128xf32, #tpu.memory_space<vmem>>)
      "tpu.region"() ({
        %run_scoped3A_383 = tpu.sem_alloc : memref<!tpu.dma_semaphore, #tpu.memory_space<semaphore_mem>>
        %dma_start3A_384 = arith.constant 0 : i32
        %dma_start3A_385 = tpu.memref_slice %arg6[%mul3A_350, %dma_start3A_384] : memref<56x128xi32, #tpu.memory_space<vmem>> -> memref<1x128xi32, #tpu.memory_space<vmem>>
        %dma_start3A_386 = tpu.memref_squeeze %dma_start3A_385 : memref<1x128xi32, #tpu.memory_space<vmem>> -> memref<128xi32, #tpu.memory_space<vmem>>
        %dma_start3A_387 = arith.constant 0 : i32
        %dma_start3A_388 = arith.constant 0 : i32
        %dma_start3A_389 = tpu.memref_slice %arg9[%dma_start3A_387, %dma_start3A_388] : memref<10240x128xf32, #tpu.memory_space<vmem_shared>> -> memref<10240x128xf32, #tpu.memory_space<vmem_shared>>
        tpu.enqueue_indirect_dma source(%arg7 : memref<128x128xf32, #tpu.memory_space<vmem>>) target(%dma_start3A_389 : memref<10240x128xf32, #tpu.memory_space<vmem_shared>>) offsets(%dma_start3A_386 : memref<128xi32, #tpu.memory_space<vmem>>) semaphore(%run_scoped3A_383 : memref<!tpu.dma_semaphore, #tpu.memory_space<semaphore_mem>>) {add = true}
        %dma_wait3A_390 = arith.constant 0 : i32
        %dma_wait3A_391 = tpu.memref_slice %arg6[%mul3A_350, %dma_wait3A_390] : memref<56x128xi32, #tpu.memory_space<vmem>> -> memref<1x128xi32, #tpu.memory_space<vmem>>
        %dma_wait3A_392 = tpu.memref_squeeze %dma_wait3A_391 : memref<1x128xi32, #tpu.memory_space<vmem>> -> memref<128xi32, #tpu.memory_space<vmem>>
        %dma_wait3A_393 = arith.constant 0 : i32
        %dma_wait3A_394 = arith.constant 0 : i32
        %dma_wait3A_395 = tpu.memref_slice %arg9[%dma_wait3A_393, %dma_wait3A_394] : memref<10240x128xf32, #tpu.memory_space<vmem_shared>> -> memref<10240x128xf32, #tpu.memory_space<vmem_shared>>
        tpu.wait_indirect_dma semaphore(%run_scoped3A_383 : memref<!tpu.dma_semaphore, #tpu.memory_space<semaphore_mem>>) src(%arg7 : memref<128x128xf32, #tpu.memory_space<vmem>>) dst(%dma_wait3A_395 : memref<10240x128xf32, #tpu.memory_space<vmem_shared>>)
        tpu.yield
      }) : () -> ()
      %add3A_357 = arith.constant 2 : i32
      %add3A_358 = arith.addi %mul3A_350, %add3A_357 : i32
      %dma_start3A_359 = arith.constant 0 : i32
      %dma_start3A_360 = tpu.memref_slice %arg5[%add3A_358, %dma_start3A_359] : memref<56x128xi32, #tpu.memory_space<vmem>> -> memref<1x128xi32, #tpu.memory_space<vmem>>
      %dma_start3A_361 = tpu.memref_squeeze %dma_start3A_360 : memref<1x128xi32, #tpu.memory_space<vmem>> -> memref<128xi32, #tpu.memory_space<vmem>>
      %dma_start3A_362 = arith.constant 0 : i32
      %dma_start3A_363 = arith.constant 0 : i32
      %dma_start3A_364 = tpu.memref_slice %arg3[%dma_start3A_362, %dma_start3A_363] : memref<10000x128xf32, #tpu.memory_space<hbm>> -> memref<10000x128xf32, #tpu.memory_space<hbm>>
      tpu.enqueue_indirect_dma source(%dma_start3A_364 : memref<10000x128xf32, #tpu.memory_space<hbm>>) target(%arg7 : memref<128x128xf32, #tpu.memory_space<vmem>>) offsets(%dma_start3A_361 : memref<128xi32, #tpu.memory_space<vmem>>) semaphore(%arg11 : memref<!tpu.dma_semaphore, #tpu.memory_space<semaphore_mem>>)
      %mul3A_365 = arith.constant 2 : i32
      %mul3A_366 = arith.muli %mul3A_365, %while3A_348 : i32
      %add3A_367 = arith.constant 1 : i32
      %add3A_368 = arith.addi %mul3A_366, %add3A_367 : i32
      %dma_wait3A_369 = arith.constant 0 : i32
      %dma_wait3A_370 = tpu.memref_slice %arg5[%add3A_368, %dma_wait3A_369] : memref<56x128xi32, #tpu.memory_space<vmem>> -> memref<1x128xi32, #tpu.memory_space<vmem>>
      %dma_wait3A_371 = tpu.memref_squeeze %dma_wait3A_370 : memref<1x128xi32, #tpu.memory_space<vmem>> -> memref<128xi32, #tpu.memory_space<vmem>>
      %dma_wait3A_372 = arith.constant 0 : i32
      %dma_wait3A_373 = arith.constant 0 : i32
      %dma_wait3A_374 = tpu.memref_slice %arg3[%dma_wait3A_372, %dma_wait3A_373] : memref<10000x128xf32, #tpu.memory_space<hbm>> -> memref<10000x128xf32, #tpu.memory_space<hbm>>
      tpu.wait_indirect_dma semaphore(%arg12 : memref<!tpu.dma_semaphore, #tpu.memory_space<semaphore_mem>>) src(%dma_wait3A_374 : memref<10000x128xf32, #tpu.memory_space<hbm>>) dst(%arg8 : memref<128x128xf32, #tpu.memory_space<vmem>>)
      "tpu.region"() ({
        %run_scoped3A_383 = tpu.sem_alloc : memref<!tpu.dma_semaphore, #tpu.memory_space<semaphore_mem>>
        %dma_start3A_384 = arith.constant 0 : i32
        %dma_start3A_385 = tpu.memref_slice %arg6[%add3A_368, %dma_start3A_384] : memref<56x128xi32, #tpu.memory_space<vmem>> -> memref<1x128xi32, #tpu.memory_space<vmem>>
        %dma_start3A_386 = tpu.memref_squeeze %dma_start3A_385 : memref<1x128xi32, #tpu.memory_space<vmem>> -> memref<128xi32, #tpu.memory_space<vmem>>
        %dma_start3A_387 = arith.constant 0 : i32
        %dma_start3A_388 = arith.constant 0 : i32
        %dma_start3A_389 = tpu.memref_slice %arg9[%dma_start3A_387, %dma_start3A_388] : memref<10240x128xf32, #tpu.memory_space<vmem_shared>> -> memref<10240x128xf32, #tpu.memory_space<vmem_shared>>
        tpu.enqueue_indirect_dma source(%arg8 : memref<128x128xf32, #tpu.memory_space<vmem>>) target(%dma_start3A_389 : memref<10240x128xf32, #tpu.memory_space<vmem_shared>>) offsets(%dma_start3A_386 : memref<128xi32, #tpu.memory_space<vmem>>) semaphore(%run_scoped3A_383 : memref<!tpu.dma_semaphore, #tpu.memory_space<semaphore_mem>>) {add = true}
        %dma_wait3A_390 = arith.constant 0 : i32
        %dma_wait3A_391 = tpu.memref_slice %arg6[%add3A_368, %dma_wait3A_390] : memref<56x128xi32, #tpu.memory_space<vmem>> -> memref<1x128xi32, #tpu.memory_space<vmem>>
        %dma_wait3A_392 = tpu.memref_squeeze %dma_wait3A_391 : memref<1x128xi32, #tpu.memory_space<vmem>> -> memref<128xi32, #tpu.memory_space<vmem>>
        %dma_wait3A_393 = arith.constant 0 : i32
        %dma_wait3A_394 = arith.constant 0 : i32
        %dma_wait3A_395 = tpu.memref_slice %arg9[%dma_wait3A_393, %dma_wait3A_394] : memref<10240x128xf32, #tpu.memory_space<vmem_shared>> -> memref<10240x128xf32, #tpu.memory_space<vmem_shared>>
        tpu.wait_indirect_dma semaphore(%run_scoped3A_383 : memref<!tpu.dma_semaphore, #tpu.memory_space<semaphore_mem>>) src(%arg8 : memref<128x128xf32, #tpu.memory_space<vmem>>) dst(%dma_wait3A_395 : memref<10240x128xf32, #tpu.memory_space<vmem_shared>>)
        tpu.yield
      }) : () -> ()
      %add3A_375 = arith.constant 2 : i32
      %add3A_376 = arith.addi %add3A_368, %add3A_375 : i32
      %dma_start3A_377 = arith.constant 0 : i32
      %dma_start3A_378 = tpu.memref_slice %arg5[%add3A_376, %dma_start3A_377] : memref<56x128xi32, #tpu.memory_space<vmem>> -> memref<1x128xi32, #tpu.memory_space<vmem>>
      %dma_start3A_379 = tpu.memref_squeeze %dma_start3A_378 : memref<1x128xi32, #tpu.memory_space<vmem>> -> memref<128xi32, #tpu.memory_space<vmem>>
      %dma_start3A_380 = arith.constant 0 : i32
      %dma_start3A_381 = arith.constant 0 : i32
      %dma_start3A_382 = tpu.memref_slice %arg3[%dma_start3A_380, %dma_start3A_381] : memref<10000x128xf32, #tpu.memory_space<hbm>> -> memref<10000x128xf32, #tpu.memory_space<hbm>>
      tpu.enqueue_indirect_dma source(%dma_start3A_382 : memref<10000x128xf32, #tpu.memory_space<hbm>>) target(%arg8 : memref<128x128xf32, #tpu.memory_space<vmem>>) offsets(%dma_start3A_379 : memref<128xi32, #tpu.memory_space<vmem>>) semaphore(%arg12 : memref<!tpu.dma_semaphore, #tpu.memory_space<semaphore_mem>>)
    }
    %while3A_236 = arith.constant 1 : i32
    scf.for %while3A_348 = %while3A_234 to %while3A_230 step %while3A_236  : i32 {
      %mul3A_349 = arith.constant 2 : i32
      %mul3A_350 = arith.muli %mul3A_349, %while3A_348 : i32
      %dma_wait3A_351 = arith.constant 0 : i32
      %dma_wait3A_352 = tpu.memref_slice %arg5[%mul3A_350, %dma_wait3A_351] : memref<56x128xi32, #tpu.memory_space<vmem>> -> memref<1x128xi32, #tpu.memory_space<vmem>>
      %dma_wait3A_353 = tpu.memref_squeeze %dma_wait3A_352 : memref<1x128xi32, #tpu.memory_space<vmem>> -> memref<128xi32, #tpu.memory_space<vmem>>
      %dma_wait3A_354 = arith.constant 0 : i32
      %dma_wait3A_355 = arith.constant 0 : i32
      %dma_wait3A_356 = tpu.memref_slice %arg3[%dma_wait3A_354, %dma_wait3A_355] : memref<10000x128xf32, #tpu.memory_space<hbm>> -> memref<10000x128xf32, #tpu.memory_space<hbm>>
      tpu.wait_indirect_dma semaphore(%arg11 : memref<!tpu.dma_semaphore, #tpu.memory_space<semaphore_mem>>) src(%dma_wait3A_356 : memref<10000x128xf32, #tpu.memory_space<hbm>>) dst(%arg7 : memref<128x128xf32, #tpu.memory_space<vmem>>)
      "tpu.region"() ({
        %run_scoped3A_383 = tpu.sem_alloc : memref<!tpu.dma_semaphore, #tpu.memory_space<semaphore_mem>>
        %dma_start3A_384 = arith.constant 0 : i32
        %dma_start3A_385 = tpu.memref_slice %arg6[%mul3A_350, %dma_start3A_384] : memref<56x128xi32, #tpu.memory_space<vmem>> -> memref<1x128xi32, #tpu.memory_space<vmem>>
        %dma_start3A_386 = tpu.memref_squeeze %dma_start3A_385 : memref<1x128xi32, #tpu.memory_space<vmem>> -> memref<128xi32, #tpu.memory_space<vmem>>
        %dma_start3A_387 = arith.constant 0 : i32
        %dma_start3A_388 = arith.constant 0 : i32
        %dma_start3A_389 = tpu.memref_slice %arg9[%dma_start3A_387, %dma_start3A_388] : memref<10240x128xf32, #tpu.memory_space<vmem_shared>> -> memref<10240x128xf32, #tpu.memory_space<vmem_shared>>
        tpu.enqueue_indirect_dma source(%arg7 : memref<128x128xf32, #tpu.memory_space<vmem>>) target(%dma_start3A_389 : memref<10240x128xf32, #tpu.memory_space<vmem_shared>>) offsets(%dma_start3A_386 : memref<128xi32, #tpu.memory_space<vmem>>) semaphore(%run_scoped3A_383 : memref<!tpu.dma_semaphore, #tpu.memory_space<semaphore_mem>>) {add = true}
        %dma_wait3A_390 = arith.constant 0 : i32
        %dma_wait3A_391 = tpu.memref_slice %arg6[%mul3A_350, %dma_wait3A_390] : memref<56x128xi32, #tpu.memory_space<vmem>> -> memref<1x128xi32, #tpu.memory_space<vmem>>
        %dma_wait3A_392 = tpu.memref_squeeze %dma_wait3A_391 : memref<1x128xi32, #tpu.memory_space<vmem>> -> memref<128xi32, #tpu.memory_space<vmem>>
        %dma_wait3A_393 = arith.constant 0 : i32
        %dma_wait3A_394 = arith.constant 0 : i32
        %dma_wait3A_395 = tpu.memref_slice %arg9[%dma_wait3A_393, %dma_wait3A_394] : memref<10240x128xf32, #tpu.memory_space<vmem_shared>> -> memref<10240x128xf32, #tpu.memory_space<vmem_shared>>
        tpu.wait_indirect_dma semaphore(%run_scoped3A_383 : memref<!tpu.dma_semaphore, #tpu.memory_space<semaphore_mem>>) src(%arg7 : memref<128x128xf32, #tpu.memory_space<vmem>>) dst(%dma_wait3A_395 : memref<10240x128xf32, #tpu.memory_space<vmem_shared>>)
        tpu.yield
      }) : () -> ()
      %add3A_357 = arith.constant 2 : i32
      %add3A_358 = arith.addi %mul3A_350, %add3A_357 : i32
      %dma_start3A_359 = arith.constant 0 : i32
      %dma_start3A_360 = tpu.memref_slice %arg5[%add3A_358, %dma_start3A_359] : memref<56x128xi32, #tpu.memory_space<vmem>> -> memref<1x128xi32, #tpu.memory_space<vmem>>
      %dma_start3A_361 = tpu.memref_squeeze %dma_start3A_360 : memref<1x128xi32, #tpu.memory_space<vmem>> -> memref<128xi32, #tpu.memory_space<vmem>>
      %dma_start3A_362 = arith.constant 0 : i32
      %dma_start3A_363 = arith.constant 0 : i32
      %dma_start3A_364 = tpu.memref_slice %arg3[%dma_start3A_362, %dma_start3A_363] : memref<10000x128xf32, #tpu.memory_space<hbm>> -> memref<10000x128xf32, #tpu.memory_space<hbm>>
      tpu.enqueue_indirect_dma source(%dma_start3A_364 : memref<10000x128xf32, #tpu.memory_space<hbm>>) target(%arg7 : memref<128x128xf32, #tpu.memory_space<vmem>>) offsets(%dma_start3A_361 : memref<128xi32, #tpu.memory_space<vmem>>) semaphore(%arg11 : memref<!tpu.dma_semaphore, #tpu.memory_space<semaphore_mem>>)
      %mul3A_365 = arith.constant 2 : i32
      %mul3A_366 = arith.muli %mul3A_365, %while3A_348 : i32
      %add3A_367 = arith.constant 1 : i32
      %add3A_368 = arith.addi %mul3A_366, %add3A_367 : i32
      %dma_wait3A_369 = arith.constant 0 : i32
      %dma_wait3A_370 = tpu.memref_slice %arg5[%add3A_368, %dma_wait3A_369] : memref<56x128xi32, #tpu.memory_space<vmem>> -> memref<1x128xi32, #tpu.memory_space<vmem>>
      %dma_wait3A_371 = tpu.memref_squeeze %dma_wait3A_370 : memref<1x128xi32, #tpu.memory_space<vmem>> -> memref<128xi32, #tpu.memory_space<vmem>>
      %dma_wait3A_372 = arith.constant 0 : i32
      %dma_wait3A_373 = arith.constant 0 : i32
      %dma_wait3A_374 = tpu.memref_slice %arg3[%dma_wait3A_372, %dma_wait3A_373] : memref<10000x128xf32, #tpu.memory_space<hbm>> -> memref<10000x128xf32, #tpu.memory_space<hbm>>
      tpu.wait_indirect_dma semaphore(%arg12 : memref<!tpu.dma_semaphore, #tpu.memory_space<semaphore_mem>>) src(%dma_wait3A_374 : memref<10000x128xf32, #tpu.memory_space<hbm>>) dst(%arg8 : memref<128x128xf32, #tpu.memory_space<vmem>>)
      "tpu.region"() ({
        %run_scoped3A_383 = tpu.sem_alloc : memref<!tpu.dma_semaphore, #tpu.memory_space<semaphore_mem>>
        %dma_start3A_384 = arith.constant 0 : i32
        %dma_start3A_385 = tpu.memref_slice %arg6[%add3A_368, %dma_start3A_384] : memref<56x128xi32, #tpu.memory_space<vmem>> -> memref<1x128xi32, #tpu.memory_space<vmem>>
        %dma_start3A_386 = tpu.memref_squeeze %dma_start3A_385 : memref<1x128xi32, #tpu.memory_space<vmem>> -> memref<128xi32, #tpu.memory_space<vmem>>
        %dma_start3A_387 = arith.constant 0 : i32
        %dma_start3A_388 = arith.constant 0 : i32
        %dma_start3A_389 = tpu.memref_slice %arg9[%dma_start3A_387, %dma_start3A_388] : memref<10240x128xf32, #tpu.memory_space<vmem_shared>> -> memref<10240x128xf32, #tpu.memory_space<vmem_shared>>
        tpu.enqueue_indirect_dma source(%arg8 : memref<128x128xf32, #tpu.memory_space<vmem>>) target(%dma_start3A_389 : memref<10240x128xf32, #tpu.memory_space<vmem_shared>>) offsets(%dma_start3A_386 : memref<128xi32, #tpu.memory_space<vmem>>) semaphore(%run_scoped3A_383 : memref<!tpu.dma_semaphore, #tpu.memory_space<semaphore_mem>>) {add = true}
        %dma_wait3A_390 = arith.constant 0 : i32
        %dma_wait3A_391 = tpu.memref_slice %arg6[%add3A_368, %dma_wait3A_390] : memref<56x128xi32, #tpu.memory_space<vmem>> -> memref<1x128xi32, #tpu.memory_space<vmem>>
        %dma_wait3A_392 = tpu.memref_squeeze %dma_wait3A_391 : memref<1x128xi32, #tpu.memory_space<vmem>> -> memref<128xi32, #tpu.memory_space<vmem>>
        %dma_wait3A_393 = arith.constant 0 : i32
        %dma_wait3A_394 = arith.constant 0 : i32
        %dma_wait3A_395 = tpu.memref_slice %arg9[%dma_wait3A_393, %dma_wait3A_394] : memref<10240x128xf32, #tpu.memory_space<vmem_shared>> -> memref<10240x128xf32, #tpu.memory_space<vmem_shared>>
        tpu.wait_indirect_dma semaphore(%run_scoped3A_383 : memref<!tpu.dma_semaphore, #tpu.memory_space<semaphore_mem>>) src(%arg8 : memref<128x128xf32, #tpu.memory_space<vmem>>) dst(%dma_wait3A_395 : memref<10240x128xf32, #tpu.memory_space<vmem_shared>>)
        tpu.yield
      }) : () -> ()
      %add3A_375 = arith.constant 2 : i32
      %add3A_376 = arith.addi %add3A_368, %add3A_375 : i32
      %dma_start3A_377 = arith.constant 0 : i32
      %dma_start3A_378 = tpu.memref_slice %arg5[%add3A_376, %dma_start3A_377] : memref<56x128xi32, #tpu.memory_space<vmem>> -> memref<1x128xi32, #tpu.memory_space<vmem>>
      %dma_start3A_379 = tpu.memref_squeeze %dma_start3A_378 : memref<1x128xi32, #tpu.memory_space<vmem>> -> memref<128xi32, #tpu.memory_space<vmem>>
      %dma_start3A_380 = arith.constant 0 : i32
      %dma_start3A_381 = arith.constant 0 : i32
      %dma_start3A_382 = tpu.memref_slice %arg3[%dma_start3A_380, %dma_start3A_381] : memref<10000x128xf32, #tpu.memory_space<hbm>> -> memref<10000x128xf32, #tpu.memory_space<hbm>>
      tpu.enqueue_indirect_dma source(%dma_start3A_382 : memref<10000x128xf32, #tpu.memory_space<hbm>>) target(%arg8 : memref<128x128xf32, #tpu.memory_space<vmem>>) offsets(%dma_start3A_379 : memref<128xi32, #tpu.memory_space<vmem>>) semaphore(%arg12 : memref<!tpu.dma_semaphore, #tpu.memory_space<semaphore_mem>>)
    }
    %sub3A_237 = arith.constant 2 : i32
    %sub3A_238 = arith.subi %sub3A_192, %sub3A_237 : i32
    %add3A_239 = arith.constant 0 : i32
    %add3A_240 = arith.addi %sub3A_238, %add3A_239 : i32
    %dma_wait3A_241 = arith.constant 0 : i32
    %dma_wait3A_242 = tpu.memref_slice %arg5[%add3A_240, %dma_wait3A_241] : memref<56x128xi32, #tpu.memory_space<vmem>> -> memref<1x128xi32, #tpu.memory_space<vmem>>
    %dma_wait3A_243 = tpu.memref_squeeze %dma_wait3A_242 : memref<1x128xi32, #tpu.memory_space<vmem>> -> memref<128xi32, #tpu.memory_space<vmem>>
    %dma_wait3A_244 = arith.constant 0 : i32
    %dma_wait3A_245 = arith.constant 0 : i32
    %dma_wait3A_246 = tpu.memref_slice %arg3[%dma_wait3A_244, %dma_wait3A_245] : memref<10000x128xf32, #tpu.memory_space<hbm>> -> memref<10000x128xf32, #tpu.memory_space<hbm>>
    tpu.wait_indirect_dma semaphore(%arg11 : memref<!tpu.dma_semaphore, #tpu.memory_space<semaphore_mem>>) src(%dma_wait3A_246 : memref<10000x128xf32, #tpu.memory_space<hbm>>) dst(%arg7 : memref<128x128xf32, #tpu.memory_space<vmem>>)
    "tpu.region"() ({
      %run_scoped3A_348 = tpu.sem_alloc : memref<!tpu.dma_semaphore, #tpu.memory_space<semaphore_mem>>
      %dma_start3A_349 = arith.constant 0 : i32
      %dma_start3A_350 = tpu.memref_slice %arg6[%add3A_240, %dma_start3A_349] : memref<56x128xi32, #tpu.memory_space<vmem>> -> memref<1x128xi32, #tpu.memory_space<vmem>>
      %dma_start3A_351 = tpu.memref_squeeze %dma_start3A_350 : memref<1x128xi32, #tpu.memory_space<vmem>> -> memref<128xi32, #tpu.memory_space<vmem>>
      %dma_start3A_352 = arith.constant 0 : i32
      %dma_start3A_353 = arith.constant 0 : i32
      %dma_start3A_354 = tpu.memref_slice %arg9[%dma_start3A_352, %dma_start3A_353] : memref<10240x128xf32, #tpu.memory_space<vmem_shared>> -> memref<10240x128xf32, #tpu.memory_space<vmem_shared>>
      tpu.enqueue_indirect_dma source(%arg7 : memref<128x128xf32, #tpu.memory_space<vmem>>) target(%dma_start3A_354 : memref<10240x128xf32, #tpu.memory_space<vmem_shared>>) offsets(%dma_start3A_351 : memref<128xi32, #tpu.memory_space<vmem>>) semaphore(%run_scoped3A_348 : memref<!tpu.dma_semaphore, #tpu.memory_space<semaphore_mem>>) {add = true}
      %dma_wait3A_355 = arith.constant 0 : i32
      %dma_wait3A_356 = tpu.memref_slice %arg6[%add3A_240, %dma_wait3A_355] : memref<56x128xi32, #tpu.memory_space<vmem>> -> memref<1x128xi32, #tpu.memory_space<vmem>>
      %dma_wait3A_357 = tpu.memref_squeeze %dma_wait3A_356 : memref<1x128xi32, #tpu.memory_space<vmem>> -> memref<128xi32, #tpu.memory_space<vmem>>
      %dma_wait3A_358 = arith.constant 0 : i32
      %dma_wait3A_359 = arith.constant 0 : i32
      %dma_wait3A_360 = tpu.memref_slice %arg9[%dma_wait3A_358, %dma_wait3A_359] : memref<10240x128xf32, #tpu.memory_space<vmem_shared>> -> memref<10240x128xf32, #tpu.memory_space<vmem_shared>>
      tpu.wait_indirect_dma semaphore(%run_scoped3A_348 : memref<!tpu.dma_semaphore, #tpu.memory_space<semaphore_mem>>) src(%arg7 : memref<128x128xf32, #tpu.memory_space<vmem>>) dst(%dma_wait3A_360 : memref<10240x128xf32, #tpu.memory_space<vmem_shared>>)
      tpu.yield
    }) : () -> ()
    %sub3A_247 = arith.constant 2 : i32
    %sub3A_248 = arith.subi %sub3A_192, %sub3A_247 : i32
    %add3A_249 = arith.constant 1 : i32
    %add3A_250 = arith.addi %sub3A_248, %add3A_249 : i32
    %dma_wait3A_251 = arith.constant 0 : i32
    %dma_wait3A_252 = tpu.memref_slice %arg5[%add3A_250, %dma_wait3A_251] : memref<56x128xi32, #tpu.memory_space<vmem>> -> memref<1x128xi32, #tpu.memory_space<vmem>>
    %dma_wait3A_253 = tpu.memref_squeeze %dma_wait3A_252 : memref<1x128xi32, #tpu.memory_space<vmem>> -> memref<128xi32, #tpu.memory_space<vmem>>
    %dma_wait3A_254 = arith.constant 0 : i32
    %dma_wait3A_255 = arith.constant 0 : i32
    %dma_wait3A_256 = tpu.memref_slice %arg3[%dma_wait3A_254, %dma_wait3A_255] : memref<10000x128xf32, #tpu.memory_space<hbm>> -> memref<10000x128xf32, #tpu.memory_space<hbm>>
    tpu.wait_indirect_dma semaphore(%arg12 : memref<!tpu.dma_semaphore, #tpu.memory_space<semaphore_mem>>) src(%dma_wait3A_256 : memref<10000x128xf32, #tpu.memory_space<hbm>>) dst(%arg8 : memref<128x128xf32, #tpu.memory_space<vmem>>)
    "tpu.region"() ({
      %run_scoped3A_348 = tpu.sem_alloc : memref<!tpu.dma_semaphore, #tpu.memory_space<semaphore_mem>>
      %dma_start3A_349 = arith.constant 0 : i32
      %dma_start3A_350 = tpu.memref_slice %arg6[%add3A_250, %dma_start3A_349] : memref<56x128xi32, #tpu.memory_space<vmem>> -> memref<1x128xi32, #tpu.memory_space<vmem>>
      %dma_start3A_351 = tpu.memref_squeeze %dma_start3A_350 : memref<1x128xi32, #tpu.memory_space<vmem>> -> memref<128xi32, #tpu.memory_space<vmem>>
      %dma_start3A_352 = arith.constant 0 : i32
      %dma_start3A_353 = arith.constant 0 : i32
      %dma_start3A_354 = tpu.memref_slice %arg9[%dma_start3A_352, %dma_start3A_353] : memref<10240x128xf32, #tpu.memory_space<vmem_shared>> -> memref<10240x128xf32, #tpu.memory_space<vmem_shared>>
      tpu.enqueue_indirect_dma source(%arg8 : memref<128x128xf32, #tpu.memory_space<vmem>>) target(%dma_start3A_354 : memref<10240x128xf32, #tpu.memory_space<vmem_shared>>) offsets(%dma_start3A_351 : memref<128xi32, #tpu.memory_space<vmem>>) semaphore(%run_scoped3A_348 : memref<!tpu.dma_semaphore, #tpu.memory_space<semaphore_mem>>) {add = true}
      %dma_wait3A_355 = arith.constant 0 : i32
      %dma_wait3A_356 = tpu.memref_slice %arg6[%add3A_250, %dma_wait3A_355] : memref<56x128xi32, #tpu.memory_space<vmem>> -> memref<1x128xi32, #tpu.memory_space<vmem>>
      %dma_wait3A_357 = tpu.memref_squeeze %dma_wait3A_356 : memref<1x128xi32, #tpu.memory_space<vmem>> -> memref<128xi32, #tpu.memory_space<vmem>>
      %dma_wait3A_358 = arith.constant 0 : i32
      %dma_wait3A_359 = arith.constant 0 : i32
      %dma_wait3A_360 = tpu.memref_slice %arg9[%dma_wait3A_358, %dma_wait3A_359] : memref<10240x128xf32, #tpu.memory_space<vmem_shared>> -> memref<10240x128xf32, #tpu.memory_space<vmem_shared>>
      tpu.wait_indirect_dma semaphore(%run_scoped3A_348 : memref<!tpu.dma_semaphore, #tpu.memory_space<semaphore_mem>>) src(%arg8 : memref<128x128xf32, #tpu.memory_space<vmem>>) dst(%dma_wait3A_360 : memref<10240x128xf32, #tpu.memory_space<vmem_shared>>)
      tpu.yield
    }) : () -> ()
    %barrier3A_257 = arith.constant 0 : index
    tpu.barrier barrier_id(%barrier3A_257)
    %add3A_258 = arith.constant 0 : i32
    %add3A_259 = arith.addi %mul3A_31, %add3A_258 : i32
    "tpu.region"() ({
      %run_scoped3A_348 = tpu.sem_alloc : memref<!tpu.dma_semaphore, #tpu.memory_space<semaphore_mem>>
      %dma_start3A_349 = arith.constant 0 : i32
      %dma_start3A_350 = tpu.memref_slice %arg9[%add3A_259, %dma_start3A_349] : memref<10240x128xf32, #tpu.memory_space<vmem_shared>> -> memref<128x128xf32, #tpu.memory_space<vmem_shared>>
      %dma_start3A_351 = arith.constant 0 : i32
      %dma_start3A_352 = tpu.memref_slice %arg9[%add3A_259, %dma_start3A_351] : memref<10240x128xf32, #tpu.memory_space<vmem_shared>> -> memref<128x128xf32, #tpu.memory_space<vmem_shared>>
      tpu.enqueue_dma source(%dma_start3A_352 : memref<128x128xf32, #tpu.memory_space<vmem_shared>>) target(%arg7 : memref<128x128xf32, #tpu.memory_space<vmem>>) target_semaphore(%run_scoped3A_348 : memref<!tpu.dma_semaphore, #tpu.memory_space<semaphore_mem>>)
      %dma_wait3A_353 = arith.constant 0 : i32
      %dma_wait3A_354 = tpu.memref_slice %arg9[%add3A_259, %dma_wait3A_353] : memref<10240x128xf32, #tpu.memory_space<vmem_shared>> -> memref<128x128xf32, #tpu.memory_space<vmem_shared>>
      %dma_wait3A_355 = arith.constant 0 : i32
      %dma_wait3A_356 = tpu.memref_slice %arg9[%add3A_259, %dma_wait3A_355] : memref<10240x128xf32, #tpu.memory_space<vmem_shared>> -> memref<128x128xf32, #tpu.memory_space<vmem_shared>>
      tpu.wait_dma2 semaphore(%run_scoped3A_348 : memref<!tpu.dma_semaphore, #tpu.memory_space<semaphore_mem>>) src(%dma_wait3A_356 : memref<128x128xf32, #tpu.memory_space<vmem_shared>>) dst(%arg7 : memref<128x128xf32, #tpu.memory_space<vmem>>)
      tpu.yield
    }) : () -> ()
    %add3A_260 = arith.constant 0 : i32
    %add3A_261 = arith.addi %mul3A_31, %add3A_260 : i32
    %dma_start3A_262 = arith.constant 0 : i32
    %dma_start3A_263 = tpu.memref_slice %arg4[%arg0, %add3A_261, %dma_start3A_262] : memref<2x10240x128xf32, #tpu.memory_space<hbm>> -> memref<1x128x128xf32, #tpu.memory_space<hbm>>
    %dma_start3A_264 = tpu.memref_squeeze %dma_start3A_263 : memref<1x128x128xf32, #tpu.memory_space<hbm>> -> memref<128x128xf32, #tpu.memory_space<hbm>>
    %dma_start3A_265 = arith.constant 0 : i32
    %dma_start3A_266 = tpu.memref_slice %arg4[%arg0, %add3A_261, %dma_start3A_265] : memref<2x10240x128xf32, #tpu.memory_space<hbm>> -> memref<1x128x128xf32, #tpu.memory_space<hbm>>
    %dma_start3A_267 = tpu.memref_squeeze %dma_start3A_266 : memref<1x128x128xf32, #tpu.memory_space<hbm>> -> memref<128x128xf32, #tpu.memory_space<hbm>>
    tpu.enqueue_dma source(%arg7 : memref<128x128xf32, #tpu.memory_space<vmem>>) target(%dma_start3A_267 : memref<128x128xf32, #tpu.memory_space<hbm>>) target_semaphore(%arg13 : memref<!tpu.dma_semaphore, #tpu.memory_space<semaphore_mem>>)
    %add3A_268 = arith.constant 128 : i32
    %add3A_269 = arith.addi %mul3A_31, %add3A_268 : i32
    "tpu.region"() ({
      %run_scoped3A_348 = tpu.sem_alloc : memref<!tpu.dma_semaphore, #tpu.memory_space<semaphore_mem>>
      %dma_start3A_349 = arith.constant 0 : i32
      %dma_start3A_350 = tpu.memref_slice %arg9[%add3A_269, %dma_start3A_349] : memref<10240x128xf32, #tpu.memory_space<vmem_shared>> -> memref<128x128xf32, #tpu.memory_space<vmem_shared>>
      %dma_start3A_351 = arith.constant 0 : i32
      %dma_start3A_352 = tpu.memref_slice %arg9[%add3A_269, %dma_start3A_351] : memref<10240x128xf32, #tpu.memory_space<vmem_shared>> -> memref<128x128xf32, #tpu.memory_space<vmem_shared>>
      tpu.enqueue_dma source(%dma_start3A_352 : memref<128x128xf32, #tpu.memory_space<vmem_shared>>) target(%arg8 : memref<128x128xf32, #tpu.memory_space<vmem>>) target_semaphore(%run_scoped3A_348 : memref<!tpu.dma_semaphore, #tpu.memory_space<semaphore_mem>>)
      %dma_wait3A_353 = arith.constant 0 : i32
      %dma_wait3A_354 = tpu.memref_slice %arg9[%add3A_269, %dma_wait3A_353] : memref<10240x128xf32, #tpu.memory_space<vmem_shared>> -> memref<128x128xf32, #tpu.memory_space<vmem_shared>>
      %dma_wait3A_355 = arith.constant 0 : i32
      %dma_wait3A_356 = tpu.memref_slice %arg9[%add3A_269, %dma_wait3A_355] : memref<10240x128xf32, #tpu.memory_space<vmem_shared>> -> memref<128x128xf32, #tpu.memory_space<vmem_shared>>
      tpu.wait_dma2 semaphore(%run_scoped3A_348 : memref<!tpu.dma_semaphore, #tpu.memory_space<semaphore_mem>>) src(%dma_wait3A_356 : memref<128x128xf32, #tpu.memory_space<vmem_shared>>) dst(%arg8 : memref<128x128xf32, #tpu.memory_space<vmem>>)
      tpu.yield
    }) : () -> ()
    %add3A_270 = arith.constant 128 : i32
    %add3A_271 = arith.addi %mul3A_31, %add3A_270 : i32
    %dma_start3A_272 = arith.constant 0 : i32
    %dma_start3A_273 = tpu.memref_slice %arg4[%arg0, %add3A_271, %dma_start3A_272] : memref<2x10240x128xf32, #tpu.memory_space<hbm>> -> memref<1x128x128xf32, #tpu.memory_space<hbm>>
    %dma_start3A_274 = tpu.memref_squeeze %dma_start3A_273 : memref<1x128x128xf32, #tpu.memory_space<hbm>> -> memref<128x128xf32, #tpu.memory_space<hbm>>
    %dma_start3A_275 = arith.constant 0 : i32
    %dma_start3A_276 = tpu.memref_slice %arg4[%arg0, %add3A_271, %dma_start3A_275] : memref<2x10240x128xf32, #tpu.memory_space<hbm>> -> memref<1x128x128xf32, #tpu.memory_space<hbm>>
    %dma_start3A_277 = tpu.memref_squeeze %dma_start3A_276 : memref<1x128x128xf32, #tpu.memory_space<hbm>> -> memref<128x128xf32, #tpu.memory_space<hbm>>
    tpu.enqueue_dma source(%arg8 : memref<128x128xf32, #tpu.memory_space<vmem>>) target(%dma_start3A_277 : memref<128x128xf32, #tpu.memory_space<hbm>>) target_semaphore(%arg13 : memref<!tpu.dma_semaphore, #tpu.memory_space<semaphore_mem>>)
    %dma_wait3A_278 = arith.constant 0 : i32
    %dma_wait3A_279 = arith.constant 0 : i32
    %dma_wait3A_280 = tpu.memref_slice %arg4[%arg0, %dma_wait3A_278, %dma_wait3A_279] : memref<2x10240x128xf32, #tpu.memory_space<hbm>> -> memref<1x128x128xf32, #tpu.memory_space<hbm>>
    %dma_wait3A_281 = tpu.memref_squeeze %dma_wait3A_280 : memref<1x128x128xf32, #tpu.memory_space<hbm>> -> memref<128x128xf32, #tpu.memory_space<hbm>>
    %dma_wait3A_282 = arith.constant 0 : i32
    %dma_wait3A_283 = arith.constant 0 : i32
    %dma_wait3A_284 = tpu.memref_slice %arg4[%arg0, %dma_wait3A_282, %dma_wait3A_283] : memref<2x10240x128xf32, #tpu.memory_space<hbm>> -> memref<1x128x128xf32, #tpu.memory_space<hbm>>
    %dma_wait3A_285 = tpu.memref_squeeze %dma_wait3A_284 : memref<1x128x128xf32, #tpu.memory_space<hbm>> -> memref<128x128xf32, #tpu.memory_space<hbm>>
    tpu.wait_dma2 semaphore(%arg13 : memref<!tpu.dma_semaphore, #tpu.memory_space<semaphore_mem>>) src(%arg7 : memref<128x128xf32, #tpu.memory_space<vmem>>) dst(%dma_wait3A_285 : memref<128x128xf32, #tpu.memory_space<hbm>>)
    %add3A_286 = arith.constant 256 : i32
    %add3A_287 = arith.addi %mul3A_31, %add3A_286 : i32
    "tpu.region"() ({
      %run_scoped3A_348 = tpu.sem_alloc : memref<!tpu.dma_semaphore, #tpu.memory_space<semaphore_mem>>
      %dma_start3A_349 = arith.constant 0 : i32
      %dma_start3A_350 = tpu.memref_slice %arg9[%add3A_287, %dma_start3A_349] : memref<10240x128xf32, #tpu.memory_space<vmem_shared>> -> memref<128x128xf32, #tpu.memory_space<vmem_shared>>
      %dma_start3A_351 = arith.constant 0 : i32
      %dma_start3A_352 = tpu.memref_slice %arg9[%add3A_287, %dma_start3A_351] : memref<10240x128xf32, #tpu.memory_space<vmem_shared>> -> memref<128x128xf32, #tpu.memory_space<vmem_shared>>
      tpu.enqueue_dma source(%dma_start3A_352 : memref<128x128xf32, #tpu.memory_space<vmem_shared>>) target(%arg7 : memref<128x128xf32, #tpu.memory_space<vmem>>) target_semaphore(%run_scoped3A_348 : memref<!tpu.dma_semaphore, #tpu.memory_space<semaphore_mem>>)
      %dma_wait3A_353 = arith.constant 0 : i32
      %dma_wait3A_354 = tpu.memref_slice %arg9[%add3A_287, %dma_wait3A_353] : memref<10240x128xf32, #tpu.memory_space<vmem_shared>> -> memref<128x128xf32, #tpu.memory_space<vmem_shared>>
      %dma_wait3A_355 = arith.constant 0 : i32
      %dma_wait3A_356 = tpu.memref_slice %arg9[%add3A_287, %dma_wait3A_355] : memref<10240x128xf32, #tpu.memory_space<vmem_shared>> -> memref<128x128xf32, #tpu.memory_space<vmem_shared>>
      tpu.wait_dma2 semaphore(%run_scoped3A_348 : memref<!tpu.dma_semaphore, #tpu.memory_space<semaphore_mem>>) src(%dma_wait3A_356 : memref<128x128xf32, #tpu.memory_space<vmem_shared>>) dst(%arg7 : memref<128x128xf32, #tpu.memory_space<vmem>>)
      tpu.yield
    }) : () -> ()
    %add3A_288 = arith.constant 256 : i32
    %add3A_289 = arith.addi %mul3A_31, %add3A_288 : i32
    %dma_start3A_290 = arith.constant 0 : i32
    %dma_start3A_291 = tpu.memref_slice %arg4[%arg0, %add3A_289, %dma_start3A_290] : memref<2x10240x128xf32, #tpu.memory_space<hbm>> -> memref<1x128x128xf32, #tpu.memory_space<hbm>>
    %dma_start3A_292 = tpu.memref_squeeze %dma_start3A_291 : memref<1x128x128xf32, #tpu.memory_space<hbm>> -> memref<128x128xf32, #tpu.memory_space<hbm>>
    %dma_start3A_293 = arith.constant 0 : i32
    %dma_start3A_294 = tpu.memref_slice %arg4[%arg0, %add3A_289, %dma_start3A_293] : memref<2x10240x128xf32, #tpu.memory_space<hbm>> -> memref<1x128x128xf32, #tpu.memory_space<hbm>>
    %dma_start3A_295 = tpu.memref_squeeze %dma_start3A_294 : memref<1x128x128xf32, #tpu.memory_space<hbm>> -> memref<128x128xf32, #tpu.memory_space<hbm>>
    tpu.enqueue_dma source(%arg7 : memref<128x128xf32, #tpu.memory_space<vmem>>) target(%dma_start3A_295 : memref<128x128xf32, #tpu.memory_space<hbm>>) target_semaphore(%arg13 : memref<!tpu.dma_semaphore, #tpu.memory_space<semaphore_mem>>)
    %dma_wait3A_296 = arith.constant 0 : i32
    %dma_wait3A_297 = arith.constant 0 : i32
    %dma_wait3A_298 = tpu.memref_slice %arg4[%arg0, %dma_wait3A_296, %dma_wait3A_297] : memref<2x10240x128xf32, #tpu.memory_space<hbm>> -> memref<1x128x128xf32, #tpu.memory_space<hbm>>
    %dma_wait3A_299 = tpu.memref_squeeze %dma_wait3A_298 : memref<1x128x128xf32, #tpu.memory_space<hbm>> -> memref<128x128xf32, #tpu.memory_space<hbm>>
    %dma_wait3A_300 = arith.constant 0 : i32
    %dma_wait3A_301 = arith.constant 0 : i32
    %dma_wait3A_302 = tpu.memref_slice %arg4[%arg0, %dma_wait3A_300, %dma_wait3A_301] : memref<2x10240x128xf32, #tpu.memory_space<hbm>> -> memref<1x128x128xf32, #tpu.memory_space<hbm>>
    %dma_wait3A_303 = tpu.memref_squeeze %dma_wait3A_302 : memref<1x128x128xf32, #tpu.memory_space<hbm>> -> memref<128x128xf32, #tpu.memory_space<hbm>>
    tpu.wait_dma2 semaphore(%arg13 : memref<!tpu.dma_semaphore, #tpu.memory_space<semaphore_mem>>) src(%arg8 : memref<128x128xf32, #tpu.memory_space<vmem>>) dst(%dma_wait3A_303 : memref<128x128xf32, #tpu.memory_space<hbm>>)
    %add3A_304 = arith.constant 384 : i32
    %add3A_305 = arith.addi %mul3A_31, %add3A_304 : i32
    "tpu.region"() ({
      %run_scoped3A_348 = tpu.sem_alloc : memref<!tpu.dma_semaphore, #tpu.memory_space<semaphore_mem>>
      %dma_start3A_349 = arith.constant 0 : i32
      %dma_start3A_350 = tpu.memref_slice %arg9[%add3A_305, %dma_start3A_349] : memref<10240x128xf32, #tpu.memory_space<vmem_shared>> -> memref<128x128xf32, #tpu.memory_space<vmem_shared>>
      %dma_start3A_351 = arith.constant 0 : i32
      %dma_start3A_352 = tpu.memref_slice %arg9[%add3A_305, %dma_start3A_351] : memref<10240x128xf32, #tpu.memory_space<vmem_shared>> -> memref<128x128xf32, #tpu.memory_space<vmem_shared>>
      tpu.enqueue_dma source(%dma_start3A_352 : memref<128x128xf32, #tpu.memory_space<vmem_shared>>) target(%arg8 : memref<128x128xf32, #tpu.memory_space<vmem>>) target_semaphore(%run_scoped3A_348 : memref<!tpu.dma_semaphore, #tpu.memory_space<semaphore_mem>>)
      %dma_wait3A_353 = arith.constant 0 : i32
      %dma_wait3A_354 = tpu.memref_slice %arg9[%add3A_305, %dma_wait3A_353] : memref<10240x128xf32, #tpu.memory_space<vmem_shared>> -> memref<128x128xf32, #tpu.memory_space<vmem_shared>>
      %dma_wait3A_355 = arith.constant 0 : i32
      %dma_wait3A_356 = tpu.memref_slice %arg9[%add3A_305, %dma_wait3A_355] : memref<10240x128xf32, #tpu.memory_space<vmem_shared>> -> memref<128x128xf32, #tpu.memory_space<vmem_shared>>
      tpu.wait_dma2 semaphore(%run_scoped3A_348 : memref<!tpu.dma_semaphore, #tpu.memory_space<semaphore_mem>>) src(%dma_wait3A_356 : memref<128x128xf32, #tpu.memory_space<vmem_shared>>) dst(%arg8 : memref<128x128xf32, #tpu.memory_space<vmem>>)
      tpu.yield
    }) : () -> ()
    %add3A_306 = arith.constant 384 : i32
    %add3A_307 = arith.addi %mul3A_31, %add3A_306 : i32
    %dma_start3A_308 = arith.constant 0 : i32
    %dma_start3A_309 = tpu.memref_slice %arg4[%arg0, %add3A_307, %dma_start3A_308] : memref<2x10240x128xf32, #tpu.memory_space<hbm>> -> memref<1x128x128xf32, #tpu.memory_space<hbm>>
    %dma_start3A_310 = tpu.memref_squeeze %dma_start3A_309 : memref<1x128x128xf32, #tpu.memory_space<hbm>> -> memref<128x128xf32, #tpu.memory_space<hbm>>
    %dma_start3A_311 = arith.constant 0 : i32
    %dma_start3A_312 = tpu.memref_slice %arg4[%arg0, %add3A_307, %dma_start3A_311] : memref<2x10240x128xf32, #tpu.memory_space<hbm>> -> memref<1x128x128xf32, #tpu.memory_space<hbm>>
    %dma_start3A_313 = tpu.memref_squeeze %dma_start3A_312 : memref<1x128x128xf32, #tpu.memory_space<hbm>> -> memref<128x128xf32, #tpu.memory_space<hbm>>
    tpu.enqueue_dma source(%arg8 : memref<128x128xf32, #tpu.memory_space<vmem>>) target(%dma_start3A_313 : memref<128x128xf32, #tpu.memory_space<hbm>>) target_semaphore(%arg13 : memref<!tpu.dma_semaphore, #tpu.memory_space<semaphore_mem>>)
    %dma_wait3A_314 = arith.constant 0 : i32
    %dma_wait3A_315 = arith.constant 0 : i32
    %dma_wait3A_316 = tpu.memref_slice %arg4[%arg0, %dma_wait3A_314, %dma_wait3A_315] : memref<2x10240x128xf32, #tpu.memory_space<hbm>> -> memref<1x128x128xf32, #tpu.memory_space<hbm>>
    %dma_wait3A_317 = tpu.memref_squeeze %dma_wait3A_316 : memref<1x128x128xf32, #tpu.memory_space<hbm>> -> memref<128x128xf32, #tpu.memory_space<hbm>>
    %dma_wait3A_318 = arith.constant 0 : i32
    %dma_wait3A_319 = arith.constant 0 : i32
    %dma_wait3A_320 = tpu.memref_slice %arg4[%arg0, %dma_wait3A_318, %dma_wait3A_319] : memref<2x10240x128xf32, #tpu.memory_space<hbm>> -> memref<1x128x128xf32, #tpu.memory_space<hbm>>
    %dma_wait3A_321 = tpu.memref_squeeze %dma_wait3A_320 : memref<1x128x128xf32, #tpu.memory_space<hbm>> -> memref<128x128xf32, #tpu.memory_space<hbm>>
    tpu.wait_dma2 semaphore(%arg13 : memref<!tpu.dma_semaphore, #tpu.memory_space<semaphore_mem>>) src(%arg7 : memref<128x128xf32, #tpu.memory_space<vmem>>) dst(%dma_wait3A_321 : memref<128x128xf32, #tpu.memory_space<hbm>>)
    %add3A_322 = arith.constant 512 : i32
    %add3A_323 = arith.addi %mul3A_31, %add3A_322 : i32
    "tpu.region"() ({
      %run_scoped3A_348 = tpu.sem_alloc : memref<!tpu.dma_semaphore, #tpu.memory_space<semaphore_mem>>
      %dma_start3A_349 = arith.constant 0 : i32
      %dma_start3A_350 = tpu.memref_slice %arg9[%add3A_323, %dma_start3A_349] : memref<10240x128xf32, #tpu.memory_space<vmem_shared>> -> memref<128x128xf32, #tpu.memory_space<vmem_shared>>
      %dma_start3A_351 = arith.constant 0 : i32
      %dma_start3A_352 = tpu.memref_slice %arg9[%add3A_323, %dma_start3A_351] : memref<10240x128xf32, #tpu.memory_space<vmem_shared>> -> memref<128x128xf32, #tpu.memory_space<vmem_shared>>
      tpu.enqueue_dma source(%dma_start3A_352 : memref<128x128xf32, #tpu.memory_space<vmem_shared>>) target(%arg7 : memref<128x128xf32, #tpu.memory_space<vmem>>) target_semaphore(%run_scoped3A_348 : memref<!tpu.dma_semaphore, #tpu.memory_space<semaphore_mem>>)
      %dma_wait3A_353 = arith.constant 0 : i32
      %dma_wait3A_354 = tpu.memref_slice %arg9[%add3A_323, %dma_wait3A_353] : memref<10240x128xf32, #tpu.memory_space<vmem_shared>> -> memref<128x128xf32, #tpu.memory_space<vmem_shared>>
      %dma_wait3A_355 = arith.constant 0 : i32
      %dma_wait3A_356 = tpu.memref_slice %arg9[%add3A_323, %dma_wait3A_355] : memref<10240x128xf32, #tpu.memory_space<vmem_shared>> -> memref<128x128xf32, #tpu.memory_space<vmem_shared>>
      tpu.wait_dma2 semaphore(%run_scoped3A_348 : memref<!tpu.dma_semaphore, #tpu.memory_space<semaphore_mem>>) src(%dma_wait3A_356 : memref<128x128xf32, #tpu.memory_space<vmem_shared>>) dst(%arg7 : memref<128x128xf32, #tpu.memory_space<vmem>>)
      tpu.yield
    }) : () -> ()
    %add3A_324 = arith.constant 512 : i32
    %add3A_325 = arith.addi %mul3A_31, %add3A_324 : i32
    %dma_start3A_326 = arith.constant 0 : i32
    %dma_start3A_327 = tpu.memref_slice %arg4[%arg0, %add3A_325, %dma_start3A_326] : memref<2x10240x128xf32, #tpu.memory_space<hbm>> -> memref<1x128x128xf32, #tpu.memory_space<hbm>>
    %dma_start3A_328 = tpu.memref_squeeze %dma_start3A_327 : memref<1x128x128xf32, #tpu.memory_space<hbm>> -> memref<128x128xf32, #tpu.memory_space<hbm>>
    %dma_start3A_329 = arith.constant 0 : i32
    %dma_start3A_330 = tpu.memref_slice %arg4[%arg0, %add3A_325, %dma_start3A_329] : memref<2x10240x128xf32, #tpu.memory_space<hbm>> -> memref<1x128x128xf32, #tpu.memory_space<hbm>>
    %dma_start3A_331 = tpu.memref_squeeze %dma_start3A_330 : memref<1x128x128xf32, #tpu.memory_space<hbm>> -> memref<128x128xf32, #tpu.memory_space<hbm>>
    tpu.enqueue_dma source(%arg7 : memref<128x128xf32, #tpu.memory_space<vmem>>) target(%dma_start3A_331 : memref<128x128xf32, #tpu.memory_space<hbm>>) target_semaphore(%arg13 : memref<!tpu.dma_semaphore, #tpu.memory_space<semaphore_mem>>)
    %dma_wait3A_332 = arith.constant 0 : i32
    %dma_wait3A_333 = arith.constant 0 : i32
    %dma_wait3A_334 = tpu.memref_slice %arg4[%arg0, %dma_wait3A_332, %dma_wait3A_333] : memref<2x10240x128xf32, #tpu.memory_space<hbm>> -> memref<1x128x128xf32, #tpu.memory_space<hbm>>
    %dma_wait3A_335 = tpu.memref_squeeze %dma_wait3A_334 : memref<1x128x128xf32, #tpu.memory_space<hbm>> -> memref<128x128xf32, #tpu.memory_space<hbm>>
    %dma_wait3A_336 = arith.constant 0 : i32
    %dma_wait3A_337 = arith.constant 0 : i32
    %dma_wait3A_338 = tpu.memref_slice %arg4[%arg0, %dma_wait3A_336, %dma_wait3A_337] : memref<2x10240x128xf32, #tpu.memory_space<hbm>> -> memref<1x128x128xf32, #tpu.memory_space<hbm>>
    %dma_wait3A_339 = tpu.memref_squeeze %dma_wait3A_338 : memref<1x128x128xf32, #tpu.memory_space<hbm>> -> memref<128x128xf32, #tpu.memory_space<hbm>>
    tpu.wait_dma2 semaphore(%arg13 : memref<!tpu.dma_semaphore, #tpu.memory_space<semaphore_mem>>) src(%arg7 : memref<128x128xf32, #tpu.memory_space<vmem>>) dst(%dma_wait3A_339 : memref<128x128xf32, #tpu.memory_space<hbm>>)
    %dma_wait3A_340 = arith.constant 0 : i32
    %dma_wait3A_341 = arith.constant 0 : i32
    %dma_wait3A_342 = tpu.memref_slice %arg4[%arg0, %dma_wait3A_340, %dma_wait3A_341] : memref<2x10240x128xf32, #tpu.memory_space<hbm>> -> memref<1x128x128xf32, #tpu.memory_space<hbm>>
    %dma_wait3A_343 = tpu.memref_squeeze %dma_wait3A_342 : memref<1x128x128xf32, #tpu.memory_space<hbm>> -> memref<128x128xf32, #tpu.memory_space<hbm>>
    %dma_wait3A_344 = arith.constant 0 : i32
    %dma_wait3A_345 = arith.constant 0 : i32
    %dma_wait3A_346 = tpu.memref_slice %arg4[%arg0, %dma_wait3A_344, %dma_wait3A_345] : memref<2x10240x128xf32, #tpu.memory_space<hbm>> -> memref<1x128x128xf32, #tpu.memory_space<hbm>>
    %dma_wait3A_347 = tpu.memref_squeeze %dma_wait3A_346 : memref<1x128x128xf32, #tpu.memory_space<hbm>> -> memref<128x128xf32, #tpu.memory_space<hbm>>
    tpu.wait_dma2 semaphore(%arg13 : memref<!tpu.dma_semaphore, #tpu.memory_space<semaphore_mem>>) src(%arg8 : memref<128x128xf32, #tpu.memory_space<vmem>>) dst(%dma_wait3A_347 : memref<128x128xf32, #tpu.memory_space<hbm>>)
    return
  }
}

module attributes {stable_mosaic.version = 14 : i64} {
  func.func @_k2_body(%arg0: memref<10000x128xf32, #tpu.memory_space<vmem>>, %arg1: memref<128x128xf32, #tpu.memory_space<vmem>>, %arg2: memref<10000xf32, #tpu.memory_space<vmem>>, %arg3: memref<10000xf32, #tpu.memory_space<vmem>>, %arg4: memref<10000x128xf32, #tpu.memory_space<vmem>>, %arg5: memref<10000xf32, #tpu.memory_space<vmem>>) attributes {dimension_semantics = [], scalar_prefetch = 0 : i64, scratch_operands = 0 : i64, tpu.core_type = #tpu.core_type<tc>} {
    %get3A = arith.constant 0 : index
    %get3A_0 = arith.constant 0 : index
    %get3A_1 = vector.load %arg0[%get3A, %get3A_0] : memref<10000x128xf32, #tpu.memory_space<vmem>>, vector<10000x128xf32>
    %get3A_2 = arith.constant 0 : index
    %get3A_3 = arith.constant 0 : index
    %get3A_4 = vector.load %arg1[%get3A_2, %get3A_3] : memref<128x128xf32, #tpu.memory_space<vmem>>, vector<128x128xf32>
    %dot_general3A = arith.constant dense<0.000000e+00> : vector<10000x128xf32>
    %dot_general3A_5 = tpu.matmul %get3A_1, %get3A_4, %dot_general3A {dimension_numbers = #tpu.dot_dimension_numbers<[1], [0], [0], [1], [0, 0, 1, 1], [], []>, precision = #tpu.contract_precision<fp32>, transpose_lhs_hint = false} : vector<10000x128xf32>, vector<128x128xf32>, vector<10000x128xf32> -> vector<10000x128xf32>
    %get3A_6 = arith.constant 0 : index
    %get3A_7 = vector.load %arg2[%get3A_6] : memref<10000xf32, #tpu.memory_space<vmem>>, vector<10000xf32>
    %get3A_8 = arith.constant 0 : index
    %get3A_9 = vector.load %arg3[%get3A_8] : memref<10000xf32, #tpu.memory_space<vmem>>, vector<10000xf32>
    %add3A = arith.addf %get3A_7, %get3A_9 : vector<10000xf32>
    %add3A_10 = arith.constant 1.000000e+00 : f32
    %add3A_11 = vector.broadcast %add3A_10 : f32 to vector<10000xf32>
    %add3A_12 = arith.addf %add3A, %add3A_11 : vector<10000xf32>
    %rsqrt3A = math.rsqrt %add3A_12 : vector<10000xf32>
    %reshape3A = vector.shape_cast %rsqrt3A : vector<10000xf32> to vector<10000x1xf32>
    %mul3A = vector.broadcast %reshape3A : vector<10000x1xf32> to vector<10000x128xf32>
    %mul3A_13 = arith.mulf %dot_general3A_5, %mul3A : vector<10000x128xf32>
    %swap3A = arith.constant 0 : index
    %swap3A_14 = arith.constant 0 : index
    %swap3A_15 = vector.load %arg4[%swap3A, %swap3A_14] : memref<10000x128xf32, #tpu.memory_space<vmem>>, vector<10000x128xf32>
    tpu.vector_store %arg4[%swap3A, %swap3A_14], %mul3A_13 {strides = array<i32>} : memref<10000x128xf32, #tpu.memory_space<vmem>>, vector<10000x128xf32>,
    %swap3A_16 = arith.constant 0 : index
    %swap3A_17 = vector.load %arg5[%swap3A_16] : memref<10000xf32, #tpu.memory_space<vmem>>, vector<10000xf32>
    tpu.vector_store %arg5[%swap3A_16], %rsqrt3A {strides = array<i32>} : memref<10000xf32, #tpu.memory_space<vmem>>, vector<10000xf32>,
    return
  }
}

module attributes {stable_mosaic.version = 14 : i64} {
  func.func @_k4_body(%arg0: i32, %arg1: memref<2x5000x128xf32, #tpu.memory_space<vmem>>, %arg2: memref<5000x128xf32, #tpu.memory_space<vmem>>, %arg3: memref<2x5000xf32, #tpu.memory_space<vmem>>, %arg4: memref<2x5000xi32, #tpu.memory_space<vmem>>, %arg5: memref<1x128xf32, #tpu.memory_space<vmem>>, %arg6: memref<128x128xf32, #tpu.memory_space<vmem>>, %arg7: memref<1x128xf32, #tpu.memory_space<vmem>>, %arg8: memref<128x128xf32, #tpu.memory_space<vmem>>, %arg9: memref<128x128xf32, #tpu.memory_space<vmem>>, %arg10: memref<128x1xf32, #tpu.memory_space<vmem>>) attributes {dimension_semantics = [#tpu.dimension_semantics<arbitrary>], iteration_bounds = array<i64: 2>, scalar_prefetch = 0 : i64, scratch_operands = 2 : i64, tpu.core_type = #tpu.core_type<tc>, window_params = [{transform_indices = @transform_0, window_bounds = array<i64: 2, 5000, 128>}, {transform_indices = @transform_1, window_bounds = array<i64: 5000, 128>}, {pipeline_mode = #tpu.pipeline_mode<synchronous>, transform_indices = @transform_2, window_bounds = array<i64: 2, 5000>}, {pipeline_mode = #tpu.pipeline_mode<synchronous>, transform_indices = @transform_3, window_bounds = array<i64: 2, 5000>}, {pipeline_mode = #tpu.pipeline_mode<synchronous>, transform_indices = @transform_4, window_bounds = array<i64: 1, 128>}, {pipeline_mode = #tpu.pipeline_mode<synchronous>, transform_indices = @transform_5, window_bounds = array<i64: 128, 128>}, {pipeline_mode = #tpu.pipeline_mode<synchronous>, transform_indices = @transform_6, window_bounds = array<i64: 1, 128>}, {pipeline_mode = #tpu.pipeline_mode<synchronous>, transform_indices = @transform_7, window_bounds = array<i64: 128, 128>}]} {
    %eq3A = arith.constant 0 : i32
    %eq3A_0 = arith.cmpi eq, %arg0, %eq3A : i32
    %convert_element_type3A = arith.extui %eq3A_0 : i1 to i32
    %cond3A = arith.constant 0 : i32
    %cond3A_1 = arith.cmpi ne, %convert_element_type3A, %cond3A : i32
    scf.if %cond3A_1 {
      %broadcast_in_dim3A_56 = arith.constant 0.000000e+00 : f32
      %broadcast_in_dim3A_57 = vector.broadcast %broadcast_in_dim3A_56 : f32 to vector<128x128xf32>
      %swap3A_58 = arith.constant 0 : index
      %swap3A_59 = arith.constant 0 : index
      %swap3A_60 = vector.load %arg9[%swap3A_58, %swap3A_59] : memref<128x128xf32, #tpu.memory_space<vmem>>, vector<128x128xf32>
      tpu.vector_store %arg9[%swap3A_58, %swap3A_59], %broadcast_in_dim3A_57 {strides = array<i32>} : memref<128x128xf32, #tpu.memory_space<vmem>>, vector<128x128xf32>,
      %broadcast_in_dim3A_61 = arith.constant 0.000000e+00 : f32
      %broadcast_in_dim3A_62 = vector.broadcast %broadcast_in_dim3A_61 : f32 to vector<128x1xf32>
      %swap3A_63 = arith.constant 0 : index
      %swap3A_64 = arith.constant 0 : index
      %swap3A_65 = vector.load %arg10[%swap3A_63, %swap3A_64] : memref<128x1xf32, #tpu.memory_space<vmem>>, vector<128x1xf32>
      tpu.vector_store %arg10[%swap3A_63, %swap3A_64], %broadcast_in_dim3A_62 {strides = array<i32>} : memref<128x1xf32, #tpu.memory_space<vmem>>, vector<128x1xf32>,
    } else {
    }
    %get3A = arith.constant 0 : index
    %get3A_2 = arith.constant 0 : index
    %get3A_3 = arith.constant 0 : index
    %get3A_4 = vector.load %arg1[%get3A, %get3A_2, %get3A_3] : memref<2x5000x128xf32, #tpu.memory_space<vmem>>, vector<1x5000x128xf32>
    %get3A_5 = vector.shape_cast %get3A_4 : vector<1x5000x128xf32> to vector<5000x128xf32>
    %get3A_6 = arith.constant 1 : index
    %get3A_7 = arith.constant 0 : index
    %get3A_8 = arith.constant 0 : index
    %get3A_9 = vector.load %arg1[%get3A_6, %get3A_7, %get3A_8] : memref<2x5000x128xf32, #tpu.memory_space<vmem>>, vector<1x5000x128xf32>
    %get3A_10 = vector.shape_cast %get3A_9 : vector<1x5000x128xf32> to vector<5000x128xf32>
    %add3A = arith.addf %get3A_5, %get3A_10 : vector<5000x128xf32>
    %get3A_11 = arith.index_cast %arg0 : i32 to index
    %get3A_12 = arith.constant 0 : index
    %get3A_13 = vector.load %arg3[%get3A_11, %get3A_12] : memref<2x5000xf32, #tpu.memory_space<vmem>>, vector<1x5000xf32>
    %reshape3A = vector.shape_cast %get3A_13 : vector<1x5000xf32> to vector<5000x1xf32>
    %get3A_14 = arith.constant 0 : index
    %get3A_15 = arith.constant 0 : index
    %get3A_16 = vector.load %arg2[%get3A_14, %get3A_15] : memref<5000x128xf32, #tpu.memory_space<vmem>>, vector<5000x128xf32>
    %add3A_17 = arith.addf %add3A, %get3A_16 : vector<5000x128xf32>
    %mul3A = vector.broadcast %reshape3A : vector<5000x1xf32> to vector<5000x128xf32>
    %mul3A_18 = arith.mulf %mul3A, %add3A_17 : vector<5000x128xf32>
    %get3A_19 = arith.constant 0 : index
    %get3A_20 = arith.constant 0 : index
    %get3A_21 = vector.load %arg5[%get3A_19, %get3A_20] : memref<1x128xf32, #tpu.memory_space<vmem>>, vector<1x128xf32>
    %add3A_22 = vector.broadcast %get3A_21 : vector<1x128xf32> to vector<5000x128xf32>
    %add3A_23 = arith.addf %mul3A_18, %add3A_22 : vector<5000x128xf32>
    %max3A = arith.constant 0.000000e+00 : f32
    %max3A_24 = vector.broadcast %max3A : f32 to vector<5000x128xf32>
    %max3A_25 = arith.maximumf %add3A_23, %max3A_24 : vector<5000x128xf32>
    %get3A_26 = arith.index_cast %arg0 : i32 to index
    %get3A_27 = arith.constant 0 : index
    %get3A_28 = vector.load %arg4[%get3A_26, %get3A_27] : memref<2x5000xi32, #tpu.memory_space<vmem>>, vector<1x5000xi32>
    %iota3A = tpu.iota {dimensions = array<i32: 0>} : vector<128x1xi32>
    %eq3A_29 = vector.broadcast %get3A_28 : vector<1x5000xi32> to vector<128x5000xi32>
    %eq3A_30 = vector.broadcast %iota3A : vector<128x1xi32> to vector<128x5000xi32>
    %eq3A_31 = arith.cmpi eq, %eq3A_29, %eq3A_30 : vector<128x5000xi32>
    %convert_element_type3A_32 = arith.extui %eq3A_31 : vector<128x5000xi1> to vector<128x5000xi32>
    %convert_element_type3A_33 = arith.sitofp %convert_element_type3A_32 : vector<128x5000xi32> to vector<128x5000xf32>
    %get3A_34 = arith.constant 0 : index
    %get3A_35 = arith.constant 0 : index
    %get3A_36 = vector.load %arg9[%get3A_34, %get3A_35] : memref<128x128xf32, #tpu.memory_space<vmem>>, vector<128x128xf32>
    %dot_general3A = arith.constant dense<0.000000e+00> : vector<128x128xf32>
    %dot_general3A_37 = tpu.matmul %convert_element_type3A_33, %max3A_25, %dot_general3A {dimension_numbers = #tpu.dot_dimension_numbers<[1], [0], [0], [1], [0, 0, 1, 1], [], []>, precision = #tpu.contract_precision<fp32>, transpose_lhs_hint = false} : vector<128x5000xf32>, vector<5000x128xf32>, vector<128x128xf32> -> vector<128x128xf32>
    %add3A_38 = arith.addf %get3A_36, %dot_general3A_37 : vector<128x128xf32>
    %swap3A = arith.constant 0 : index
    %swap3A_39 = arith.constant 0 : index
    %swap3A_40 = vector.load %arg9[%swap3A, %swap3A_39] : memref<128x128xf32, #tpu.memory_space<vmem>>, vector<128x128xf32>
    tpu.vector_store %arg9[%swap3A, %swap3A_39], %add3A_38 {strides = array<i32>} : memref<128x128xf32, #tpu.memory_space<vmem>>, vector<128x128xf32>,
    %get3A_41 = arith.constant 0 : index
    %get3A_42 = arith.constant 0 : index
    %get3A_43 = vector.load %arg10[%get3A_41, %get3A_42] : memref<128x1xf32, #tpu.memory_space<vmem>>, vector<128x1xf32>
    %broadcast_in_dim3A = arith.constant 1.000000e+00 : f32
    %broadcast_in_dim3A_44 = vector.broadcast %broadcast_in_dim3A : f32 to vector<5000x1xf32>
    %dot_general3A_45 = arith.constant dense<0.000000e+00> : vector<128x1xf32>
    %dot_general3A_46 = tpu.matmul %convert_element_type3A_33, %broadcast_in_dim3A_44, %dot_general3A_45 {dimension_numbers = #tpu.dot_dimension_numbers<[1], [0], [0], [1], [0, 0, 1, 1], [], []>, precision = #tpu.contract_precision<fp32>, transpose_lhs_hint = false} : vector<128x5000xf32>, vector<5000x1xf32>, vector<128x1xf32> -> vector<128x1xf32>
    %add3A_47 = arith.addf %get3A_43, %dot_general3A_46 : vector<128x1xf32>
    %swap3A_48 = arith.constant 0 : index
    %swap3A_49 = arith.constant 0 : index
    %swap3A_50 = vector.load %arg10[%swap3A_48, %swap3A_49] : memref<128x1xf32, #tpu.memory_space<vmem>>, vector<128x1xf32>
    tpu.vector_store %arg10[%swap3A_48, %swap3A_49], %add3A_47 {strides = array<i32>} : memref<128x1xf32, #tpu.memory_space<vmem>>, vector<128x1xf32>,
    %eq3A_51 = arith.constant 1 : i32
    %eq3A_52 = arith.cmpi eq, %arg0, %eq3A_51 : i32
    %convert_element_type3A_53 = arith.extui %eq3A_52 : i1 to i32
    %cond3A_54 = arith.constant 0 : i32
    %cond3A_55 = arith.cmpi ne, %convert_element_type3A_53, %cond3A_54 : i32
    scf.if %cond3A_55 {
      %get3A_56 = arith.constant 0 : index
      %get3A_57 = arith.constant 0 : index
      %get3A_58 = vector.load %arg9[%get3A_56, %get3A_57] : memref<128x128xf32, #tpu.memory_space<vmem>>, vector<128x128xf32>
      %get3A_59 = arith.constant 0 : index
      %get3A_60 = arith.constant 0 : index
      %get3A_61 = vector.load %arg10[%get3A_59, %get3A_60] : memref<128x1xf32, #tpu.memory_space<vmem>>, vector<128x1xf32>
      %max3A_62 = arith.constant 1.000000e+00 : f32
      %max3A_63 = vector.broadcast %max3A_62 : f32 to vector<128x1xf32>
      %max3A_64 = arith.maximumf %get3A_61, %max3A_63 : vector<128x1xf32>
      %div3A = vector.broadcast %max3A_64 : vector<128x1xf32> to vector<128x128xf32>
      %div3A_65 = arith.divf %get3A_58, %div3A : vector<128x128xf32>
      %get3A_66 = arith.constant 0 : index
      %get3A_67 = arith.constant 0 : index
      %get3A_68 = vector.load %arg6[%get3A_66, %get3A_67] : memref<128x128xf32, #tpu.memory_space<vmem>>, vector<128x128xf32>
      %dot_general3A_69 = arith.constant dense<0.000000e+00> : vector<128x128xf32>
      %dot_general3A_70 = tpu.matmul %div3A_65, %get3A_68, %dot_general3A_69 {dimension_numbers = #tpu.dot_dimension_numbers<[1], [0], [0], [1], [0, 0, 1, 1], [], []>, precision = #tpu.contract_precision<fp32>, transpose_lhs_hint = false} : vector<128x128xf32>, vector<128x128xf32>, vector<128x128xf32> -> vector<128x128xf32>
      %get3A_71 = arith.constant 0 : index
      %get3A_72 = arith.constant 0 : index
      %get3A_73 = vector.load %arg7[%get3A_71, %get3A_72] : memref<1x128xf32, #tpu.memory_space<vmem>>, vector<1x128xf32>
      %add3A_74 = vector.broadcast %get3A_73 : vector<1x128xf32> to vector<128x128xf32>
      %add3A_75 = arith.addf %dot_general3A_70, %add3A_74 : vector<128x128xf32>
      %swap3A_76 = arith.constant 0 : index
      %swap3A_77 = arith.constant 0 : index
      %swap3A_78 = vector.load %arg8[%swap3A_76, %swap3A_77] : memref<128x128xf32, #tpu.memory_space<vmem>>, vector<128x128xf32>
      tpu.vector_store %arg8[%swap3A_76, %swap3A_77], %add3A_75 {strides = array<i32>} : memref<128x128xf32, #tpu.memory_space<vmem>>, vector<128x128xf32>,
    } else {
    }
    return
  }
  func.func @transform_0(%arg0: i32) -> (i32, i32, i32) {
    %c0_i32 = arith.constant 0 : i32
    %c0_i32_0 = arith.constant 0 : i32
    %c0_i32_1 = arith.constant 0 : i32
    return %c0_i32, %arg0, %c0_i32_0 : i32, i32, i32
  }
  func.func @transform_1(%arg0: i32) -> (i32, i32) {
    %c0_i32 = arith.constant 0 : i32
    %c0_i32_0 = arith.constant 0 : i32
    return %arg0, %c0_i32 : i32, i32
  }
  func.func @transform_2(%arg0: i32) -> (i32, i32) {
    %c0_i32 = arith.constant 0 : i32
    %c0_i32_0 = arith.constant 0 : i32
    %c0_i32_1 = arith.constant 0 : i32
    return %c0_i32, %c0_i32_0 : i32, i32
  }
  func.func @transform_3(%arg0: i32) -> (i32, i32) {
    %c0_i32 = arith.constant 0 : i32
    %c0_i32_0 = arith.constant 0 : i32
    %c0_i32_1 = arith.constant 0 : i32
    return %c0_i32, %c0_i32_0 : i32, i32
  }
  func.func @transform_4(%arg0: i32) -> (i32, i32) {
    %c0_i32 = arith.constant 0 : i32
    %c0_i32_0 = arith.constant 0 : i32
    %c0_i32_1 = arith.constant 0 : i32
    return %c0_i32, %c0_i32_0 : i32, i32
  }
  func.func @transform_5(%arg0: i32) -> (i32, i32) {
    %c0_i32 = arith.constant 0 : i32
    %c0_i32_0 = arith.constant 0 : i32
    %c0_i32_1 = arith.constant 0 : i32
    return %c0_i32, %c0_i32_0 : i32, i32
  }
  func.func @transform_6(%arg0: i32) -> (i32, i32) {
    %c0_i32 = arith.constant 0 : i32
    %c0_i32_0 = arith.constant 0 : i32
    %c0_i32_1 = arith.constant 0 : i32
    return %c0_i32, %c0_i32_0 : i32, i32
  }
  func.func @transform_7(%arg0: i32) -> (i32, i32) {
    %c0_i32 = arith.constant 0 : i32
    %c0_i32_0 = arith.constant 0 : i32
    %c0_i32_1 = arith.constant 0 : i32
    return %c0_i32, %c0_i32_0 : i32, i32
  }
}

</mosaic_0001>

<sc_bundles>
// kernel: kernel.6.cloned.1.call-start
scs
__scs_entry_jumppad:
0x0: {  	(pc) =	sbr.rel $0x88, $3  }
0x1: {  	(tag) =	ssettag $0x0;
	lr =	simm.s32 $0x1  }
0x2: {  	[smem:$0x3F9A] =	sst lr;
	_ =	strace $0xD0000000  }
0x3: {  	_ = 	snop  }
0x4: {  	_ = 	snop  }
0x5: {  	_ = 	snop  }
0x6: {  	_ = 	snop  }
0x7: {  	_ = 	snop  }
__scs_overlays_trampoline_lowered:
0x8: {  	[smem:$0x3FA9] =	sst s0  }
0x9: {  	[smem:$0x3FAA] =	sst s1  }
0xa: {  	[smem:$0x3FAB] =	sst s2  }
0xb: {  	[smem:$0x3FAC] =	sst s3  }
0xc: {  	[smem:$0x3FAD] =	sst s4  }
0xd: {  	[smem:$0x3FAE] =	sst s5  }
0xe: {  	[smem:$0x3FAF] =	sst s6  }
0xf: {  	[smem:$0x3FB0] =	sst s7  }
0x10: {  	[smem:$0x3FB1] =	sst s8  }
0x11: {  	[smem:$0x3FB2] =	sst s9;
	s0 =	simm.s32 @!p0 $0x0  }
0x12: {  	s1 =	sld [smem:$0x3F98];
	s0 =	simm.s32 @p0 $0x1  }
0x13: {  	[smem:$0x3FB3] =	sst s0;
	s0 =	simm.s32 @!p1 $0x0  }
0x14: {  	s2 =	sld [smem:$0x3F97];
	s0 =	simm.s32 @p1 $0x1  }
0x15: {  	[smem:$0x3FB4] =	sst s0;
	s0 =	simm.s32 @!p2 $0x0  }
0x16: {  	s3 =	sld [smem:$0x3FDB];
	s0 =	simm.s32 @p2 $0x1  }
0x17: {  	s4 =	simm.s32 $0x1BF5;
	[smem:$0x3FB6] =	sst s0  }
0x18: {  	s0 =	sld [smem:$0x3F99];
	_ =	swait.ge [sflag:s4], $0x0  }
0x19: {  	s7 =	sld [smem:$0x3F9A]  }
0x1a: {  	s8 =	sadd.s32 $0xFFFFE003, lr  }
0x1b: {  	s9 =	sadd.s32 $0xFFFFFEF7, lr;
	s5 =	simm.s32 $0xFFFFFFFF;
	p2 =	slt.u32 s8, $0xFFFFF086  }
0x1c: {  	p1 =	slt.u32 s9, $0xF7A;
	s5 =	simm.s32 @!p2 $0x0  }
0x1d: {  	s5 =	simm.s32 @p1 $0x1;
	p0 =	seq.s32 s7, s2  }
0x1e: {  	s7 =	smul.u32 @!p0 $0xF7A, s2;
	p2 =	seq.s32 @!p0 s5, $0x0  }
0x1f: {  	s9 =	smul.u32 $0xF7A, s1;
	s8 =	simm.s32 @!p0 $0x1BF5;
	p2 =	por !p2, p0  }
0x20: {  	[sflag:s8] =	ssyncset.s32 @!p0 $0xFFFFF086;
	s6 =	sadd.s32 @!p0 s3, s7;
	s7 =	simm.s32 @!p0 $0x108  }
0x21: {  	s3 =	sadd.s32 s3, s9;
	s6 =	sadd.s32 @!p0 $0x88, s6;
	s7 =	simm.s32 @p2 $0x1082  }
0x22: {  	[simem:s7], [sflag:s8] =	dma.local @!p0 [hbm:s6], $0xF7A  }
0x23: {  	s9 =	sor.u32 $0xD0000000, s2;
	s6 =	simm.s32 $0x108;
	_ =	swait.ge @!p0 [sflag:s8], $0x0  }
0x24: {  	s3 =	sadd.s32 $0x88, s3;
	s6 =	simm.s32 @!p1 $0x1082;
	[sflag:s4] =	ssyncset.s32 $0xFFFFF086  }
0x25: {  	[simem:s6], [sflag:s4] =	dma.local [hbm:s3], $0xF7A  }
0x26: {  	[smem:$0x3F9A] =	sst s1;
	(tag) =	ssettag s2;
	_ =	strace s9  }
0x27: {  	s1 =	sld [smem:$0x3FAA]  }
0x28: {  	s2 =	sld [smem:$0x3FAB]  }
0x29: {  	s4 =	sld [smem:$0x3FAD]  }
0x2a: {  	p0 =	seq.s32 s5, $0x0;
	s5 =	sld [smem:$0x3FAE]  }
0x2b: {  	s6 =	sld [smem:$0x3FAF]  }
0x2c: {  	s7 =	sld [smem:$0x3FB0]  }
0x2d: {  	s3 =	simm.s32 $0x108;
	s8 =	sld [smem:$0x3FB1]  }
0x2e: {  	s3 =	simm.s32 @!p0 $0x1082;
	s9 =	sld [smem:$0x3FB2]  }
0x2f: {  	lr =	sadd.s32 s0, s3;
	s0 =	sld [smem:$0x3FA9]  }
0x30: {  	s3 =	sld [smem:$0x3FAC]  }
0x31: {  	[smem:$0x3FB5] =	sst s10  }
0x32: {  	s10 =	sld [smem:$0x3FB3];
	_ =	sdelay $0x3  }
0x33: {  	p0 =	seq.s32 s10, $0x1;
	s10 =	sld [smem:$0x3FB5];
	_ =	sdelay $0x3  }
0x34: {  	[smem:$0x3FB5] =	sst s10  }
0x35: {  	s10 =	sld [smem:$0x3FB4];
	_ =	sdelay $0x3  }
0x36: {  	p1 =	seq.s32 s10, $0x1;
	s10 =	sld [smem:$0x3FB5];
	_ =	sdelay $0x3  }
0x37: {  	[smem:$0x3FB5] =	sst s10  }
0x38: {  	s10 =	sld [smem:$0x3FB6]  }
0x39: {  	_ = 	snop;
	(pc) =	sbr.ind lr, $3  }
0x3a: {  	_ = 	snop  }
0x3b: {  	_ = 	snop  }
0x3c: {  	p2 =	seq.s32 s10, $0x1;
	s10 =	sld [smem:$0x3FB5]  }
0x3d: {  	_ =	shalt  }
0x3e: {  	_ =	shalt  }
0x3f: {  	_ =	shalt  }
0x40: {  	_ =	shalt  }
0x41: {  	_ =	shalt  }
0x42: {  	_ =	shalt  }
0x43: {  	_ =	shalt  }
0x44: {  	_ =	shalt  }
0x45: {  	_ =	shalt  }
0x46: {  	_ =	shalt  }
0x47: {  	_ =	shalt  }
0x48: {  	_ =	shalt  }
0x49: {  	_ =	shalt  }
0x4a: {  	_ =	shalt  }
0x4b: {  	_ =	shalt  }
0x4c: {  	_ =	shalt  }
0x4d: {  	_ =	shalt  }
0x4e: {  	_ =	shalt  }
0x4f: {  	_ =	shalt  }
0x50: {  	_ =	shalt  }
0x51: {  	_ =	shalt  }
0x52: {  	_ =	shalt  }
0x53: {  	_ =	shalt  }
0x54: {  	_ =	shalt  }
0x55: {  	_ =	shalt  }
0x56: {  	_ =	shalt  }
0x57: {  	_ =	shalt  }
0x58: {  	_ =	shalt  }
0x59: {  	_ =	shalt  }
0x5a: {  	_ =	shalt  }
0x5b: {  	_ =	shalt  }
0x5c: {  	_ =	shalt  }
0x5d: {  	_ =	shalt  }
0x5e: {  	_ =	shalt  }
0x5f: {  	_ =	shalt  }
0x60: {  	_ =	shalt  }
0x61: {  	_ =	shalt  }
0x62: {  	_ =	shalt  }
0x63: {  	_ =	shalt  }
0x64: {  	_ =	shalt  }
0x65: {  	_ =	shalt  }
0x66: {  	_ =	shalt  }
0x67: {  	_ =	shalt  }
0x68: {  	_ =	shalt  }
0x69: {  	_ =	shalt  }
0x6a: {  	_ =	shalt  }
0x6b: {  	_ =	shalt  }
0x6c: {  	_ =	shalt  }
0x6d: {  	_ =	shalt  }
0x6e: {  	_ =	shalt  }
0x6f: {  	_ =	shalt  }
0x70: {  	_ =	shalt  }
0x71: {  	_ =	shalt  }
0x72: {  	_ =	shalt  }
0x73: {  	_ =	shalt  }
0x74: {  	_ =	shalt  }
0x75: {  	_ =	shalt  }
0x76: {  	_ =	shalt  }
0x77: {  	_ =	shalt  }
0x78: {  	_ =	shalt  }
0x79: {  	_ =	shalt  }
0x7a: {  	_ =	shalt  }
0x7b: {  	_ =	shalt  }
0x7c: {  	_ =	shalt  }
0x7d: {  	_ =	shalt  }
0x7e: {  	_ =	shalt  }
0x7f: {  	_ =	shalt  }
0x80: {  	_ =	shalt  }
0x81: {  	_ =	shalt  }
0x82: {  	_ =	shalt  }
0x83: {  	_ =	shalt  }
0x84: {  	_ =	shalt  }
0x85: {  	_ =	shalt  }
0x86: {  	_ =	shalt  }
0x87: {  	_ =	shalt  }
.Lfunc_end0:
.L_simem_size_0:
called_computation_lowered:
.L_overlay_start_0:
0x88: {  	s2 =	sld [smem:$0x3FD9]  }
0x89: {  	s3 =	sld [smem:$0x3FFE];
	_ =	sdelay $0x1  }
0x8a: {  	s1 =	srdreg.scid  }
0x8b: {  	s0 =	sand.u32 $0x1, s1  }
0x8c: {  	s16 =	sshll.u32 s0, $0xA;
	s2 =	sadd.s32 s3, s2  }
0x8d: {  	s2 =	sadd.s32 s2, s16  }
0x8e: {  	[smem:$0x3FC1] =	sst s2  }
0x8f: {  	_ = 	snop  }
0x90: {  	(tm) =	ssettm $0x1  }
0x91: {  	s17 =	sld [smem:$0x3FFB];
	_ =	sdelay $0x3  }
0x92: {  	_ =	strace s17  }
0x93: {  	s2 =	sld [smem:$0x3FFC];
	_ =	sdelay $0x3  }
0x94: {  	_ =	strace s2  }
0x95: {  	s2 =	sld [smem:$0x3FFD];
	_ =	sdelay $0x3  }
0x96: {  	_ =	strace s2  }
0x97: {  	_ =	strace $0x8FFFFFFF  }
0x98: {  	s18 =	sld [smem:$0x3FDB];
	_ =	sdelay $0x1  }
0x99: {  	s19 =	simm.s32 $_scs_section_size  }
0x9a: {  	s4 =	simm.s32 $_size__tile_overlayer_lowered;
	s5 =	simm.s32 $_tile_overlayer_lowered  }
0x9b: {  	s22 =	simm.s32 $0x1BFF;
	s21 =	sshll.u32 s5, $0x1;
	s2 =	sadd.s32 s19, s18  }
0x9c: {  	s6 =	simm.s32 $0x0;
	s20 =	sshll.u32 s4, $0x1;
	s4 =	sadd.s32 s21, s2  }
0x9d: {  	[timem:s6], [sflag:s22] =	dma.local [hbm:s4], s20  }
0x9e: {  	_ =	swait.ge [sflag:s22], s20  }
0x9f: {  	s3 =	ssub.s32 $0x0, s20;
	[sflag:s22] =	ssyncset.done $0x0  }
0xa0: {  	[sflag:s22] =	ssyncadd.s32 s3;
	_ =	sdelay $0x1  }
0xa1: {  	s23 =	simm.s32 $0x1B8B  }
0xa2: {  	_ =	swait.ge [sflag:s23], $0x1  }
0xa3: {  	[sflag:s23] =	ssyncset.done $0x0  }
0xa4: {  	s25 =	simm.s32 $0x1B8E;
	s24 =	sld [smem:$0x3FFE];
	[sflag:s23] =	ssyncadd.s32 $0xFFFFFFFF  }
0xa5: {  	s26 =	simm.s32 $execute0_lowered;
	[smem:$0x3FD2] =	sst s25  }
0xa6: {  	s4 =	sshll.u32 s26, $0x1;
	_ =	strace $0x80000046;
	[dreg:$0x1] =	wrdreg $0xFFFFFFFF  }
0xa7: {  	s28 =	simm.s32 $_size_execute0_lowered;
	s2 =	sadd.s32 s2, s4;
	[dreg:$0x0] =	wrdreg $0x0  }
0xa8: {  	s4 =	sshll.u32 s28, $0x1;
	[dreg:$0x2] =	wrdreg s2  }
0xa9: {  	[dreg:$0x3] =	wrdreg s4  }
0xaa: {  	[dreg:$0x4] =	wrdreg $0xC0  }
0xab: {  	_ =	task [dreg:s6], $0x5FFFF  }
0xac: {  	[dreg:$0x1] =	wrdreg $0xFFFFFFFF  }
0xad: {  	[dreg:$0x0] =	wrdreg $0x60  }
0xae: {  	[dreg:$0x2] =	wrdreg s24  }
0xaf: {  	[dreg:$0x3] =	wrdreg $0x2B000  }
0xb0: {  	[dreg:$0x4] =	wrdreg $0x9  }
0xb1: {  	_ =	task.clear_ibuf [dreg:s6], $0x5FFFF;
	_ =	strace $0x90000046  }
0xb2: {  	s29 =	simm.s32 $0x9;
	_ =	strace $0x80000048  }
0xb3: {  	_ =	swait.ge [sflag:s29], $0x1  }
0xb4: {  	[sflag:s29] =	ssyncadd.s32 $0xFFFFFFFF  }
0xb5: {  	_ =	strace $0x90000048  }
0xb6: {  	_ =	sfence  }
0xb7: {  	s30 =	sld [smem:$0x0];
	_ =	sdelay $0x2  }
0xb8: {  	s31 =	sshll.u32 s1, $0xD;
	s1 =	sshrl.u32 s1, $0x2  }
0xb9: {  	s3 =	sand.u32 $0x4000, s31;
	s1 =	sadd.s32 s1, s30  }
0xba: {  	s0 =	sor.u32 s3, s0;
	s1 =	sshll.u32 s1, $0x11  }
0xbb: {  	s0 =	sor.u32 s1, s0  }
0xbc: {  	s0 =	sadd.s32 $0x8F2B, s0  }
0xbd: {  	[sflag:s0] =	ssyncadd.remote.s32 $0x1  }
0xbe: {  	_ =	sfence.sel $0xFFFF  }
0xbf: {  	[dreg:$0x0] =	wrdreg $0xFFFFFFFF;
	(pc) =	sbr.abs _section_cstart, $3  }
0xc0: {  	[dreg:$0x1] =	wrdreg $0xFFFFFFFF  }
0xc1: {  	_ =	task.clear_ibuf [dreg:s6], $0x2FFFF;
	_ =	strace $0x9FFFFFFF  }
0xc2: {  	(tm) =	ssettm $0x7FFFFFFF  }
0xc3: {  	_ =	shalt  }
tec
execute0_lowered:
.L_overlay_start_1:
0x0: {  	(tag) =	ssettag $0x1  }
0x1: {  	s6 =	rddreg [dreg:$0x0]  }
0x2: {  	s0 =	srdreg.scid;
	s2 =	rddreg [dreg:$0x1]  }
0x3: {  	s3 =	simm.s32 $0x0;
	s13 =	simm.s32 $0x1;
	s14 =	simm.s32 $0x80  }
0x4: {  	s15 =	simm.s32 $0x2800;
	s4 =	sand.u32 $0x1, s0;
	s0 =	stileid.u32  }
0x5: {  	s16 =	simm.s32 $0x2;
	s17 =	simm.s32 $0x0;
	s8 =	smul.u32 $0x280, s0  }
0x6: {  	[smem:$0x7FF] =	sst s3;
	s1 =	sshll.u32 s4, $0x4;
	s7 =	smul.u32 $0x2800, s4  }
0x7: {  	s30 =	ssub.s32 $0x2, s4;
	s4 =	simm.s32 $0x4C;
	s10 =	sor.u32 s0, s1  }
0x8: {  	s1 =	rddreg [dreg:$0x2];
	_ =	strace $0x80000047;
	s31 =	sshrl.u32 s30, $0x1  }
0x9: {  	s5 =	smul.u32 $0x9, s10;
	s9 =	smin.u32 s10, $0x18;
	s7 =	sadd.s32 s8, s7  }
0xa: {  	p0 =	seq.s32 s10, $0x1F;
	p1 =	slt.u32 s10, $0x18;
	s12 =	ssub.s32 s30, s31  }
0xb: {  	s8 =	sadd.s32 s8, s2;
	s7 =	sshrl.u32 s7, $0x3;
	s4 =	simm.s32 @!p0 $0x48  }
0xc: {  	p0 =	sgt.u32 s10, $0x17;
	s5 =	sadd.s32 s9, s5;
	s11 =	sadd.s32 s7, s6  }
0xd: {  	s4 =	simm.s32 @p1 $0x50;
	p1 =	sne.s32 @p0 s10, $0x1F;
	s10 =	smax.u32 s12, $0x1  }
0xe: {  	s12 =	simm.s32 $0x3;
	s5 =	sshll.u32 s5, $0x7;
	s9 =	sadd.s32 $0x15E00, s11  }
0xf: {  	p1 =	por p1, !p0;
	s11 =	simm.s32 $0x2880;
	s29 =	sadd.s32 s5, s6  }
0x10: {  	v0 =	vimm.f32 $1.000000000e+00;
	v1 =	vimm.f32 $0.0e+00;
	s6 =	sadd.s32 $0x15C80, s6;
	s5 =	sadd.s32 $0xC080, s29;
	s7 =	sadd.s32 $0xC500, s29  }
.LBB2_1:
0x11: {  	[tilespmem:s3], [sflag:$0x1] =	stream.linear.gather [hbm4b:s5+s3], $0x2400, $0x38;
	[tilespmem:$0x2D80] =	vst v63  }
0x12: {  	s18 =	simm.s32 @!p1 $0x0;
	s19 =	simm.s32 @!p1 $0x2400  }
0x13: {  	[tilespmem:s19], [sflag:$0x1] =	stream.linear.gather @!p1 [hbm4b:s6+s18], $0x200, $0x38;
	[tilespmem:$0x2D80] =	vst v63  }
0x14: {  	s18 =	simm.s32 @!p0 $0x0;
	s19 =	simm.s32 @!p0 $0x2400  }
0x15: {  	[tilespmem:s19], [sflag:$0x1] =	stream.linear.gather @!p0 [hbm4b:s7+s18], $0x400, $0x38;
	[tilespmem:$0x2D80] =	vst v63  }
0x16: {  	[tilespmem:$0x2800] =	vst v0  }
0x17: {  	[tilespmem:$0x2810] =	vst v0  }
0x18: {  	[tilespmem:$0x2820] =	vst v0  }
0x19: {  	[tilespmem:$0x2830] =	vst v0  }
0x1a: {  	[tilespmem:$0x2840] =	vst v0  }
0x1b: {  	[tilespmem:$0x2850] =	vst v0  }
0x1c: {  	[tilespmem:$0x2860] =	vst v0  }
0x1d: {  	[tilespmem:$0x2870] =	vst v0  }
0x1e: {  	[tilespmem:$0x2880] =	vst v1  }
0x1f: {  	[tilespmem:$0x2890] =	vst v1  }
0x20: {  	[tilespmem:$0x28A0] =	vst v1  }
0x21: {  	[tilespmem:$0x28B0] =	vst v1  }
0x22: {  	[tilespmem:$0x28C0] =	vst v1  }
0x23: {  	[tilespmem:$0x28D0] =	vst v1  }
0x24: {  	[tilespmem:$0x28E0] =	vst v1  }
0x25: {  	[tilespmem:$0x28F0] =	vst v1  }
0x26: {  	[tilespmem:$0x2900] =	vst v1  }
0x27: {  	[tilespmem:$0x2910] =	vst v1  }
0x28: {  	[tilespmem:$0x2920] =	vst v1  }
0x29: {  	[tilespmem:$0x2930] =	vst v1  }
0x2a: {  	[tilespmem:$0x2940] =	vst v1  }
0x2b: {  	[tilespmem:$0x2950] =	vst v1  }
0x2c: {  	[tilespmem:$0x2960] =	vst v1  }
0x2d: {  	[tilespmem:$0x2970] =	vst v1  }
0x2e: {  	[tilespmem:$0x2980] =	vst v1  }
0x2f: {  	[tilespmem:$0x2990] =	vst v1  }
0x30: {  	[tilespmem:$0x29A0] =	vst v1  }
0x31: {  	[tilespmem:$0x29B0] =	vst v1  }
0x32: {  	[tilespmem:$0x29C0] =	vst v1  }
0x33: {  	[tilespmem:$0x29D0] =	vst v1  }
0x34: {  	[tilespmem:$0x29E0] =	vst v1  }
0x35: {  	[tilespmem:$0x29F0] =	vst v1  }
0x36: {  	[tilespmem:$0x2A00] =	vst v1  }
0x37: {  	[tilespmem:$0x2A10] =	vst v1  }
0x38: {  	[tilespmem:$0x2A20] =	vst v1  }
0x39: {  	[tilespmem:$0x2A30] =	vst v1  }
0x3a: {  	[tilespmem:$0x2A40] =	vst v1  }
0x3b: {  	[tilespmem:$0x2A50] =	vst v1  }
0x3c: {  	[tilespmem:$0x2A60] =	vst v1  }
0x3d: {  	[tilespmem:$0x2A70] =	vst v1  }
0x3e: {  	[tilespmem:$0x2A80] =	vst v1  }
0x3f: {  	[tilespmem:$0x2A90] =	vst v1  }
0x40: {  	[tilespmem:$0x2AA0] =	vst v1  }
0x41: {  	[tilespmem:$0x2AB0] =	vst v1  }
0x42: {  	[tilespmem:$0x2AC0] =	vst v1  }
0x43: {  	[tilespmem:$0x2AD0] =	vst v1  }
0x44: {  	[tilespmem:$0x2AE0] =	vst v1  }
0x45: {  	[tilespmem:$0x2AF0] =	vst v1  }
0x46: {  	[spmem:s8] =	stream.linear.scatter [tilespmem:s11], [sflag:$0x3], $0x280, $0x38;
	[tilespmem:$0x2D80] =	vst v63  }
0x47: {  	_ =	swait.ge [sflag:s12], $0x280  }
0x48: {  	[sflag:s12] =	ssyncset.done $0x0  }
0x49: {  	[sflag:s12] =	ssyncadd.s32 $0xFFFFFD80  }
0x4a: {  	_ =	swait.ge [sflag:s13], $0x2400  }
0x4b: {  	[sflag:s13] =	ssyncset.done $0x0  }
0x4c: {  	s18 =	simm.s32 @!p1 $0x1;
	[sflag:s13] =	ssyncadd.s32 $0xFFFFDC00  }
0x4d: {  	_ =	swait.ge @!p1 [sflag:s18], $0x200  }
0x4e: {  	[sflag:s18] =	ssyncset.done @!p1 $0x0  }
0x4f: {  	p2 =	sne.s32 s4, $0x1;
	[sflag:s18] =	ssyncadd.s32 @!p1 $0xFFFFFE00;
	s18 =	simm.s32 @!p0 $0x1  }
.Ltmp0:
0x50: {  	_ =	swait.ge @!p0 [sflag:s18], $0x400;
	(pc) =	sbr.rel @!p2 .LBB2_3-.Ltmp0, $4  }
0x51: {  	[sflag:s18] =	ssyncset.done @!p0 $0x0  }
0x52: {  	[sflag:s18] =	ssyncadd.s32 @!p0 $0xFFFFFC00  }
0x53: {  	s19 =	simm.s32 $0x0;
	s18 =	sadd.s32 $0xFFFFFFFF, s4;
	[bflag:$0x0] =	sbarrier.arrive $0xFFFF  }
0x54: {  	[spmem:s2] =	stream.indirect.scatter.add.f32 [tilespmem:s15], [sflag:$0x2], $0x1, s3, s14, $0xb8;
	[tilespmem:$0x2D80] =	vst v63  }
.LBB2_2:
0x55: {  	p3 =	sne.s32 s18, $0x1  }
.Ltmp1:
0x56: {  	_ = 	snop;
	(pc) =	sbr.rel @p3 .LBB2_2-.Ltmp1, $3  }
0x57: {  	_ = 	snop  }
0x58: {  	s18 =	sadd.s32 $0xFFFFFFFF, s18;
	s19 =	sadd.s32 $0x80, s19;
	_ =	sdelay $0x1  }
0x59: {  	[spmem:s2] =	stream.indirect.scatter.add.f32 [tilespmem:s15], [sflag:$0x2], $0x1, s19, s14, $0xb8;
	[tilespmem:$0x2D80] =	vst v63  }
.LBB2_3:
.Ltmp2:
0x5a: {  	(pc) =	sbr.rel @!p2 .LBB2_5-.Ltmp2, $3  }
0x5b: {  	_ =	sdelay $0x1  }
0x5c: {  	_ =	swait.ge [sflag:s16], $0x80  }
0x5d: {  	s18 =	sadd.s32 $0xFFFFFFFF, s4;
	[sflag:s16] =	ssyncset.done $0x0  }
.LBB2_4:
0x5e: {  	p2 =	sne.s32 s18, $0x1;
	s18 =	sadd.s32 $0xFFFFFFFF, s18;
	[sflag:s16] =	ssyncadd.s32 $0xFFFFFF80  }
.Ltmp3:
0x5f: {  	(pc) =	sbr.rel @p2 .LBB2_4-.Ltmp3, $3  }
0x60: {  	_ =	sdelay $0x1  }
0x61: {  	_ =	swait.ge [sflag:s16], $0x80  }
0x62: {  	[sflag:s16] =	ssyncset.done $0x0  }
.LBB2_5:
0x63: {  	[sflag:s16] =	ssyncadd.s32 $0xFFFFFF80  }
0x64: {  	[bflag:$0x0] =	sbarrier.arrive $0xFFFF  }
0x65: {  	[tilespmem:s11], [sflag:$0x3] =	stream.linear.gather [spmem:s8], $0x280, $0x38;
	[tilespmem:$0x2D80] =	vst v63  }
0x66: {  	s17 =	sadd.s32 $0x1, s17;
	_ =	swait.ge [sflag:s12], $0x280  }
0x67: {  	p2 =	sne.s32 s17, s10;
	[sflag:s12] =	ssyncset.done $0x0  }
.Ltmp4:
0x68: {  	[sflag:s12] =	ssyncadd.s32 $0xFFFFFD80;
	(pc) =	sbr.rel @p2 .LBB2_1-.Ltmp4, $4  }
0x69: {  	[hbm4b:s9+s3] =	stream.linear.scatter [tilespmem:s11], [sflag:$0x3], $0x280, $0x38;
	[tilespmem:$0x2D80] =	vst v63  }
0x6a: {  	_ =	swait.ge [sflag:s12], $0x280  }
0x6b: {  	[sflag:s12] =	ssyncset.done $0x0  }
0x6c: {  	[sflag:s12] =	ssyncadd.s32 $0xFFFFFD80  }
0x6d: {  	_ =	sfence.sel $0x180000  }
0x6e: {  	[bflag:$0x0] =	sbarrier.arrive $0xFFFF  }
0x6f: {  	p0 =	sne.s32 s0, $0x0;
	_ =	strace $0x90000047  }
0x70: {  	s0 =	sadd.s32 @!p0 $0x100000, s1;
	[bflag:$0x2] =	sbarrier.arrive $0xFFFF  }
0x71: {  	[sflag:s0] =	ssyncadd.tile.s32 @!p0 $0x1;
	_ =	shalt  }
.Lfunc_end2:
_tile_overlayer_lowered:
.L_overlay_start_2:
0x72: {  	(tag) =	ssettag $0x2  }
0x73: {  	s0 =	rddreg [dreg:$0x0];
	s2 =	stileid.u32  }
0x74: {  	s1 =	rddreg [dreg:$0x1];
	p0 =	sne.s32 s2, $0x0  }
0x75: {  	s3 =	rddreg [dreg:$0x2];
	[bflag:$0x3] =	sbarrier.arrive $0xFFFF;
	s2 =	simm.s32 @!p0 $0x1C03  }
0x76: {  	[timem:s3], [sflag:s2] =	dma.local @!p0 [hbm:s0], s1  }
0x77: {  	s0 =	simm.s32 @!p0 $0x3  }
0x78: {  	_ =	swait.ge @!p0 [sflag:s0], s1  }
0x79: {  	s1 =	ssub.s32 @!p0 $0x0, s1;
	[sflag:s0] =	ssyncset.done @!p0 $0x0  }
0x7a: {  	[sflag:s0] =	ssyncadd.s32 @!p0 s1  }
0x7b: {  	[bflag:$0x3] =	sbarrier.arrive $0xFFFF  }
0x7c: {  	_ =	shalt  }

// kernel: kernel.9.cloned.1.call-start
scs
__scs_entry_jumppad:
0x0: {  	(pc) =	sbr.rel $0x88, $3  }
0x1: {  	(tag) =	ssettag $0x0;
	lr =	simm.s32 $0x1  }
0x2: {  	[smem:$0x3F9A] =	sst lr;
	_ =	strace $0xD0000000  }
0x3: {  	_ = 	snop  }
0x4: {  	_ = 	snop  }
0x5: {  	_ = 	snop  }
0x6: {  	_ = 	snop  }
0x7: {  	_ = 	snop  }
__scs_overlays_trampoline_lowered:
0x8: {  	[smem:$0x3FA9] =	sst s0  }
0x9: {  	[smem:$0x3FAA] =	sst s1  }
0xa: {  	[smem:$0x3FAB] =	sst s2  }
0xb: {  	[smem:$0x3FAC] =	sst s3  }
0xc: {  	[smem:$0x3FAD] =	sst s4  }
0xd: {  	[smem:$0x3FAE] =	sst s5  }
0xe: {  	[smem:$0x3FAF] =	sst s6  }
0xf: {  	[smem:$0x3FB0] =	sst s7  }
0x10: {  	[smem:$0x3FB1] =	sst s8  }
0x11: {  	[smem:$0x3FB2] =	sst s9;
	s0 =	simm.s32 @!p0 $0x0  }
0x12: {  	s1 =	sld [smem:$0x3F98];
	s0 =	simm.s32 @p0 $0x1  }
0x13: {  	[smem:$0x3FB3] =	sst s0;
	s0 =	simm.s32 @!p1 $0x0  }
0x14: {  	s2 =	sld [smem:$0x3F97];
	s0 =	simm.s32 @p1 $0x1  }
0x15: {  	[smem:$0x3FB4] =	sst s0;
	s0 =	simm.s32 @!p2 $0x0  }
0x16: {  	s3 =	sld [smem:$0x3FDB];
	s0 =	simm.s32 @p2 $0x1  }
0x17: {  	s4 =	simm.s32 $0x1BF5;
	[smem:$0x3FB6] =	sst s0  }
0x18: {  	s0 =	sld [smem:$0x3F99];
	_ =	swait.ge [sflag:s4], $0x0  }
0x19: {  	s7 =	sld [smem:$0x3F9A]  }
0x1a: {  	s8 =	sadd.s32 $0xFFFFE003, lr  }
0x1b: {  	s9 =	sadd.s32 $0xFFFFFEF7, lr;
	s5 =	simm.s32 $0xFFFFFFFF;
	p2 =	slt.u32 s8, $0xFFFFF086  }
0x1c: {  	p1 =	slt.u32 s9, $0xF7A;
	s5 =	simm.s32 @!p2 $0x0  }
0x1d: {  	s5 =	simm.s32 @p1 $0x1;
	p0 =	seq.s32 s7, s2  }
0x1e: {  	s7 =	smul.u32 @!p0 $0xF7A, s2;
	p2 =	seq.s32 @!p0 s5, $0x0  }
0x1f: {  	s9 =	smul.u32 $0xF7A, s1;
	s8 =	simm.s32 @!p0 $0x1BF5;
	p2 =	por !p2, p0  }
0x20: {  	[sflag:s8] =	ssyncset.s32 @!p0 $0xFFFFF086;
	s6 =	sadd.s32 @!p0 s3, s7;
	s7 =	simm.s32 @!p0 $0x108  }
0x21: {  	s3 =	sadd.s32 s3, s9;
	s6 =	sadd.s32 @!p0 $0x88, s6;
	s7 =	simm.s32 @p2 $0x1082  }
0x22: {  	[simem:s7], [sflag:s8] =	dma.local @!p0 [hbm:s6], $0xF7A  }
0x23: {  	s9 =	sor.u32 $0xD0000000, s2;
	s6 =	simm.s32 $0x108;
	_ =	swait.ge @!p0 [sflag:s8], $0x0  }
0x24: {  	s3 =	sadd.s32 $0x88, s3;
	s6 =	simm.s32 @!p1 $0x1082;
	[sflag:s4] =	ssyncset.s32 $0xFFFFF086  }
0x25: {  	[simem:s6], [sflag:s4] =	dma.local [hbm:s3], $0xF7A  }
0x26: {  	[smem:$0x3F9A] =	sst s1;
	(tag) =	ssettag s2;
	_ =	strace s9  }
0x27: {  	s1 =	sld [smem:$0x3FAA]  }
0x28: {  	s2 =	sld [smem:$0x3FAB]  }
0x29: {  	s4 =	sld [smem:$0x3FAD]  }
0x2a: {  	p0 =	seq.s32 s5, $0x0;
	s5 =	sld [smem:$0x3FAE]  }
0x2b: {  	s6 =	sld [smem:$0x3FAF]  }
0x2c: {  	s7 =	sld [smem:$0x3FB0]  }
0x2d: {  	s3 =	simm.s32 $0x108;
	s8 =	sld [smem:$0x3FB1]  }
0x2e: {  	s3 =	simm.s32 @!p0 $0x1082;
	s9 =	sld [smem:$0x3FB2]  }
0x2f: {  	lr =	sadd.s32 s0, s3;
	s0 =	sld [smem:$0x3FA9]  }
0x30: {  	s3 =	sld [smem:$0x3FAC]  }
0x31: {  	[smem:$0x3FB5] =	sst s10  }
0x32: {  	s10 =	sld [smem:$0x3FB3];
	_ =	sdelay $0x3  }
0x33: {  	p0 =	seq.s32 s10, $0x1;
	s10 =	sld [smem:$0x3FB5];
	_ =	sdelay $0x3  }
0x34: {  	[smem:$0x3FB5] =	sst s10  }
0x35: {  	s10 =	sld [smem:$0x3FB4];
	_ =	sdelay $0x3  }
0x36: {  	p1 =	seq.s32 s10, $0x1;
	s10 =	sld [smem:$0x3FB5];
	_ =	sdelay $0x3  }
0x37: {  	[smem:$0x3FB5] =	sst s10  }
0x38: {  	s10 =	sld [smem:$0x3FB6]  }
0x39: {  	_ = 	snop;
	(pc) =	sbr.ind lr, $3  }
0x3a: {  	_ = 	snop  }
0x3b: {  	_ = 	snop  }
0x3c: {  	p2 =	seq.s32 s10, $0x1;
	s10 =	sld [smem:$0x3FB5]  }
0x3d: {  	_ =	shalt  }
0x3e: {  	_ =	shalt  }
0x3f: {  	_ =	shalt  }
0x40: {  	_ =	shalt  }
0x41: {  	_ =	shalt  }
0x42: {  	_ =	shalt  }
0x43: {  	_ =	shalt  }
0x44: {  	_ =	shalt  }
0x45: {  	_ =	shalt  }
0x46: {  	_ =	shalt  }
0x47: {  	_ =	shalt  }
0x48: {  	_ =	shalt  }
0x49: {  	_ =	shalt  }
0x4a: {  	_ =	shalt  }
0x4b: {  	_ =	shalt  }
0x4c: {  	_ =	shalt  }
0x4d: {  	_ =	shalt  }
0x4e: {  	_ =	shalt  }
0x4f: {  	_ =	shalt  }
0x50: {  	_ =	shalt  }
0x51: {  	_ =	shalt  }
0x52: {  	_ =	shalt  }
0x53: {  	_ =	shalt  }
0x54: {  	_ =	shalt  }
0x55: {  	_ =	shalt  }
0x56: {  	_ =	shalt  }
0x57: {  	_ =	shalt  }
0x58: {  	_ =	shalt  }
0x59: {  	_ =	shalt  }
0x5a: {  	_ =	shalt  }
0x5b: {  	_ =	shalt  }
0x5c: {  	_ =	shalt  }
0x5d: {  	_ =	shalt  }
0x5e: {  	_ =	shalt  }
0x5f: {  	_ =	shalt  }
0x60: {  	_ =	shalt  }
0x61: {  	_ =	shalt  }
0x62: {  	_ =	shalt  }
0x63: {  	_ =	shalt  }
0x64: {  	_ =	shalt  }
0x65: {  	_ =	shalt  }
0x66: {  	_ =	shalt  }
0x67: {  	_ =	shalt  }
0x68: {  	_ =	shalt  }
0x69: {  	_ =	shalt  }
0x6a: {  	_ =	shalt  }
0x6b: {  	_ =	shalt  }
0x6c: {  	_ =	shalt  }
0x6d: {  	_ =	shalt  }
0x6e: {  	_ =	shalt  }
0x6f: {  	_ =	shalt  }
0x70: {  	_ =	shalt  }
0x71: {  	_ =	shalt  }
0x72: {  	_ =	shalt  }
0x73: {  	_ =	shalt  }
0x74: {  	_ =	shalt  }
0x75: {  	_ =	shalt  }
0x76: {  	_ =	shalt  }
0x77: {  	_ =	shalt  }
0x78: {  	_ =	shalt  }
0x79: {  	_ =	shalt  }
0x7a: {  	_ =	shalt  }
0x7b: {  	_ =	shalt  }
0x7c: {  	_ =	shalt  }
0x7d: {  	_ =	shalt  }
0x7e: {  	_ =	shalt  }
0x7f: {  	_ =	shalt  }
0x80: {  	_ =	shalt  }
0x81: {  	_ =	shalt  }
0x82: {  	_ =	shalt  }
0x83: {  	_ =	shalt  }
0x84: {  	_ =	shalt  }
0x85: {  	_ =	shalt  }
0x86: {  	_ =	shalt  }
0x87: {  	_ =	shalt  }
.Lfunc_end0:
.L_simem_size_0:
called_computation.1_lowered:
.L_overlay_start_0:
0x88: {  	s2 =	sld [smem:$0x3FD9]  }
0x89: {  	s3 =	sld [smem:$0x3FFE];
	_ =	sdelay $0x1  }
0x8a: {  	s1 =	srdreg.scid  }
0x8b: {  	s0 =	sand.u32 $0x1, s1  }
0x8c: {  	s16 =	sshll.u32 s0, $0xA;
	s2 =	sadd.s32 s3, s2  }
0x8d: {  	s2 =	sadd.s32 s2, s16  }
0x8e: {  	[smem:$0x3FC1] =	sst s2  }
0x8f: {  	_ = 	snop  }
0x90: {  	(tm) =	ssettm $0x1  }
0x91: {  	s17 =	sld [smem:$0x3FFB];
	_ =	sdelay $0x3  }
0x92: {  	_ =	strace s17  }
0x93: {  	s2 =	sld [smem:$0x3FFC];
	_ =	sdelay $0x3  }
0x94: {  	_ =	strace s2  }
0x95: {  	s2 =	sld [smem:$0x3FFD];
	_ =	sdelay $0x3  }
0x96: {  	_ =	strace s2  }
0x97: {  	_ =	strace $0x8FFFFFFF  }
0x98: {  	s18 =	sld [smem:$0x3FDB];
	_ =	sdelay $0x1  }
0x99: {  	s19 =	simm.s32 $_scs_section_size  }
0x9a: {  	s4 =	simm.s32 $_size__tile_overlayer_lowered;
	s5 =	simm.s32 $_tile_overlayer_lowered  }
0x9b: {  	s22 =	simm.s32 $0x1BFF;
	s21 =	sshll.u32 s5, $0x1;
	s2 =	sadd.s32 s19, s18  }
0x9c: {  	s6 =	simm.s32 $0x0;
	s20 =	sshll.u32 s4, $0x1;
	s4 =	sadd.s32 s21, s2  }
0x9d: {  	[timem:s6], [sflag:s22] =	dma.local [hbm:s4], s20  }
0x9e: {  	_ =	swait.ge [sflag:s22], s20  }
0x9f: {  	s3 =	ssub.s32 $0x0, s20;
	[sflag:s22] =	ssyncset.done $0x0  }
0xa0: {  	[sflag:s22] =	ssyncadd.s32 s3;
	_ =	sdelay $0x1  }
0xa1: {  	s23 =	simm.s32 $0x1B8B  }
0xa2: {  	_ =	swait.ge [sflag:s23], $0x1  }
0xa3: {  	[sflag:s23] =	ssyncset.done $0x0  }
0xa4: {  	s25 =	simm.s32 $0x1B8E;
	s24 =	sld [smem:$0x3FFE];
	[sflag:s23] =	ssyncadd.s32 $0xFFFFFFFF  }
0xa5: {  	s26 =	simm.s32 $execute0_lowered;
	[smem:$0x3FD2] =	sst s25  }
0xa6: {  	s4 =	sshll.u32 s26, $0x1;
	_ =	strace $0x80000049;
	[dreg:$0x1] =	wrdreg $0xFFFFFFFF  }
0xa7: {  	s28 =	simm.s32 $_size_execute0_lowered;
	s2 =	sadd.s32 s2, s4;
	[dreg:$0x0] =	wrdreg $0x0  }
0xa8: {  	s4 =	sshll.u32 s28, $0x1;
	[dreg:$0x2] =	wrdreg s2  }
0xa9: {  	[dreg:$0x3] =	wrdreg s4  }
0xaa: {  	[dreg:$0x4] =	wrdreg $0xC0  }
0xab: {  	_ =	task [dreg:s6], $0x5FFFF  }
0xac: {  	[dreg:$0x1] =	wrdreg $0xFFFFFFFF  }
0xad: {  	[dreg:$0x0] =	wrdreg $0x60  }
0xae: {  	[dreg:$0x2] =	wrdreg s24  }
0xaf: {  	[dreg:$0x3] =	wrdreg $0xB8000  }
0xb0: {  	[dreg:$0x4] =	wrdreg $0x9  }
0xb1: {  	_ =	task.clear_ibuf [dreg:s6], $0x5FFFF;
	_ =	strace $0x90000049  }
0xb2: {  	s29 =	simm.s32 $0x9;
	_ =	strace $0x8000004B  }
0xb3: {  	_ =	swait.ge [sflag:s29], $0x1  }
0xb4: {  	[sflag:s29] =	ssyncadd.s32 $0xFFFFFFFF  }
0xb5: {  	_ =	strace $0x9000004B  }
0xb6: {  	_ =	sfence  }
0xb7: {  	s30 =	sld [smem:$0x0];
	_ =	sdelay $0x2  }
0xb8: {  	s31 =	sshll.u32 s1, $0xD;
	s1 =	sshrl.u32 s1, $0x2  }
0xb9: {  	s3 =	sand.u32 $0x4000, s31;
	s1 =	sadd.s32 s1, s30  }
0xba: {  	s0 =	sor.u32 s3, s0;
	s1 =	sshll.u32 s1, $0x11  }
0xbb: {  	s0 =	sor.u32 s1, s0  }
0xbc: {  	s0 =	sadd.s32 $0x8F2B, s0  }
0xbd: {  	[sflag:s0] =	ssyncadd.remote.s32 $0x1  }
0xbe: {  	_ =	sfence.sel $0xFFFF  }
0xbf: {  	[dreg:$0x0] =	wrdreg $0xFFFFFFFF;
	(pc) =	sbr.abs _section_cstart, $3  }
0xc0: {  	[dreg:$0x1] =	wrdreg $0xFFFFFFFF  }
0xc1: {  	_ =	task.clear_ibuf [dreg:s6], $0x2FFFF;
	_ =	strace $0x9FFFFFFF  }
0xc2: {  	(tm) =	ssettm $0x7FFFFFFF  }
0xc3: {  	_ =	shalt  }
tec
execute0_lowered:
.L_overlay_start_1:
0x0: {  	(tag) =	ssettag $0x1  }
0x1: {  	s0 =	srdreg.scid  }
0x2: {  	s8 =	stileid.u32;
	s5 =	rddreg [dreg:$0x0]  }
0x3: {  	s2 =	rddreg [dreg:$0x1];
	s3 =	simm.s32 $0x0;
	s14 =	simm.s32 $0x4C  }
0x4: {  	s28 =	simm.s32 $0x1C00;
	s29 =	simm.s32 $0x3800;
	s30 =	simm.s32 $0x4  }
0x5: {  	s31 =	simm.s32 $0x1;
	s0 =	sand.u32 $0x1, s0;
	s21 =	smul.u32 $0x50000, s8  }
0x6: {  	[smem:$0x7FF] =	sst s3;
	s13 =	sadd.s32 $0x3D000, s5;
	s15 =	smul.u32 $0x14000, s8  }
0x7: {  	s26 =	sadd.s32 $0xC000, s5;
	s1 =	sshll.u32 s0, $0x4;
	s20 =	ssub.s32 $0x2, s0  }
0x8: {  	_ =	strace $0x8000004A;
	s0 =	smul.u32 $0x140000, s0;
	[dreg:$0x7] =	wrdreg s26  }
0x9: {  	s1 =	sor.u32 s8, s1;
	s7 =	sshrl.u32 s20, $0x1;
	s16 =	sadd.s32 $0x4000, s15  }
0xa: {  	s17 =	sadd.s32 $0x8000, s15;
	s18 =	sadd.s32 $0xC000, s15;
	s19 =	sadd.s32 $0x10000, s15  }
0xb: {  	s4 =	smul.u32 $0x9, s1;
	s6 =	smin.u32 s1, $0x18;
	p0 =	seq.s32 s1, $0x1F  }
0xc: {  	p1 =	slt.u32 s1, $0x18;
	s8 =	sadd.s32 s16, s2;
	s9 =	sadd.s32 s17, s2  }
0xd: {  	s10 =	sadd.s32 s18, s2;
	s11 =	sadd.s32 s19, s2;
	s15 =	sadd.s32 s15, s0  }
0xe: {  	s16 =	sadd.s32 s0, s16;
	s17 =	sadd.s32 s0, s17;
	s25 =	sadd.s32 s0, s18  }
0xf: {  	s0 =	sadd.s32 s0, s19;
	s14 =	simm.s32 @!p0 $0x48;
	s18 =	sshrl.u32 s15, $0x3  }
0x10: {  	s19 =	sshrl.u32 s16, $0x3;
	s0 =	sshrl.u32 s0, $0x3;
	p0 =	sgt.u32 s1, $0x17  }
0x11: {  	s4 =	sadd.s32 s6, s4;
	s6 =	ssub.s32 s20, s7;
	s14 =	simm.s32 @p1 $0x50  }
0x12: {  	s7 =	sshrl.u32 s21, $0x2;
	s21 =	sshrl.u32 s17, $0x3;
	s4 =	sshll.u32 s4, $0x7  }
0x13: {  	s12 =	sadd.s32 s4, s5;
	s4 =	sadd.s32 $0x15E00, s5;
	s5 =	sadd.s32 $0x15C80, s5  }
0x14: {  	p1 =	sne.s32 @p0 s1, $0x1F;
	s22 =	sadd.s32 $0x2400, s12;
	[dreg:$0x8] =	wrdreg s5  }
0x15: {  	s1 =	simm.s32 $0x80;
	s23 =	sadd.s32 $0xC080, s12;
	[dreg:$0x3] =	wrdreg s22  }
0x16: {  	s7 =	sadd.s32 s7, s2;
	s20 =	sadd.s32 $0x2780, s12;
	[dreg:$0x4] =	wrdreg s23  }
0x17: {  	s26 =	sshll.u32 s14, $0x7;
	s24 =	sadd.s32 $0xC400, s12;
	[dreg:$0x5] =	wrdreg s20  }
0x18: {  	p1 =	por p1, !p0;
	s5 =	sadd.s32 s13, s18;
	[dreg:$0x6] =	wrdreg s24  }
0x19: {  	[dreg:$0x9] =	wrdreg s5;
	s5 =	sadd.s32 s13, s19;
	s22 =	sadd.s32 s13, s21  }
0x1a: {  	s23 =	sshrl.u32 s25, $0x3;
	s20 =	sadd.s32 s13, s0;
	s24 =	sadd.s32 $0xFFFFFFC6, s14  }
0x1b: {  	s21 =	sadd.s32 $0x2880, s12;
	s0 =	simm.s32 $0x7800;
	[dreg:$0xa] =	wrdreg s5  }
0x1c: {  	[dreg:$0xb] =	wrdreg s22;
	s19 =	sadd.s32 s13, s23;
	s22 =	sadd.s32 $0xC500, s12  }
0x1d: {  	s25 =	sshll.u32 s24, $0x7;
	s23 =	sshrl.u32 s24, $0x1;
	s5 =	simm.s32 $0x2  }
0x1e: {  	s12 =	simm.s32 $0x3;
	s13 =	simm.s32 $0x0;
	s24 =	sadd.s32 $0x1C00, s25  }
0x1f: {  	v0 =	vimm.f32 $0.0e+00;
	s25 =	sadd.s32 $0xFFFFFF80, s26;
	s26 =	smax.u32 s6, $0x1;
	s6 =	simm.s32 $0x5  }
.LBB2_1:
0x20: {  	s14 =	rddreg [dreg:$0x3]  }
0x21: {  	[tilespmem:s3], [sflag:$0x1] =	stream.linear.gather [hbm4b:s14+s3], $0x1C00, $0x38;
	[tilespmem:$0x1F800] =	vst v63  }
0x22: {  	s18 =	rddreg [dreg:$0x4];
	s15 =	simm.s32 $0x200;
	s14 =	simm.s32 $0x0  }
0x23: {  	[tilespmem:s28], [sflag:$0x1] =	stream.linear.gather [hbm4b:s18+s3], $0x1C00, $0x38;
	[tilespmem:$0x1F800] =	vst v63  }
.LBB2_2:
0x24: {  	p2 =	sne.s32 s15, $0xFE00;
	[tilespmem:s14+$0x3870] =	vst v0  }
0x25: {  	[tilespmem:s14+$0x3800] =	vst v0  }
0x26: {  	[tilespmem:s14+$0x3810] =	vst v0  }
.Ltmp0:
0x27: {  	[tilespmem:s14+$0x3820] =	vst v0;
	(pc) =	sbr.rel @p2 .LBB2_2-.Ltmp0, $4  }
0x28: {  	[tilespmem:s14+$0x3830] =	vst v0  }
0x29: {  	[tilespmem:s14+$0x3840] =	vst v0  }
0x2a: {  	[tilespmem:s14+$0x3850] =	vst v0  }
0x2b: {  	[tilespmem:s14+$0x3860] =	vst v0;
	s14 =	sshra.s32 s15, $0x2;
	s15 =	sadd.s32 $0x200, s15  }
0x2c: {  	[tilespmem:s14+$0x3870] =	vst v0  }
0x2d: {  	[tilespmem:s14+$0x3800] =	vst v0  }
0x2e: {  	[tilespmem:s14+$0x3810] =	vst v0  }
0x2f: {  	[tilespmem:s14+$0x3820] =	vst v0  }
0x30: {  	[tilespmem:s14+$0x3830] =	vst v0  }
0x31: {  	[tilespmem:s14+$0x3840] =	vst v0  }
0x32: {  	[tilespmem:s14+$0x3850] =	vst v0  }
0x33: {  	[tilespmem:s14+$0x3860] =	vst v0  }
0x34: {  	[spmem:s7] =	stream.linear.scatter [tilespmem:s29], [sflag:$0x4], $0x4000, $0x38;
	[tilespmem:$0x1F800] =	vst v63  }
0x35: {  	_ = 	snop  }
0x36: {  	[spmem:s8] =	stream.linear.scatter [tilespmem:s29], [sflag:$0x4], $0x4000, $0x38;
	[tilespmem:$0x1F800] =	vst v63  }
0x37: {  	_ = 	snop  }
0x38: {  	[spmem:s9] =	stream.linear.scatter [tilespmem:s29], [sflag:$0x4], $0x4000, $0x38;
	[tilespmem:$0x1F800] =	vst v63  }
0x39: {  	_ = 	snop  }
0x3a: {  	[spmem:s10] =	stream.linear.scatter [tilespmem:s29], [sflag:$0x4], $0x4000, $0x38;
	[tilespmem:$0x1F800] =	vst v63  }
0x3b: {  	_ = 	snop  }
0x3c: {  	[spmem:s11] =	stream.linear.scatter [tilespmem:s29], [sflag:$0x4], $0x4000, $0x38;
	[tilespmem:$0x1F800] =	vst v63  }
0x3d: {  	_ =	swait.ge [sflag:s30], $0x4000  }
0x3e: {  	[sflag:s30] =	ssyncset.done $0x0  }
0x3f: {  	[sflag:s30] =	ssyncadd.s32 $0xFFFFC000  }
0x40: {  	_ =	swait.ge [sflag:s30], $0x4000  }
0x41: {  	[sflag:s30] =	ssyncset.done $0x0  }
0x42: {  	[sflag:s30] =	ssyncadd.s32 $0xFFFFC000  }
0x43: {  	_ =	swait.ge [sflag:s30], $0x4000  }
0x44: {  	[sflag:s30] =	ssyncset.done $0x0  }
0x45: {  	[sflag:s30] =	ssyncadd.s32 $0xFFFFC000  }
0x46: {  	_ =	swait.ge [sflag:s30], $0x4000  }
0x47: {  	[sflag:s30] =	ssyncset.done $0x0  }
0x48: {  	[sflag:s30] =	ssyncadd.s32 $0xFFFFC000  }
0x49: {  	_ =	swait.ge [sflag:s30], $0x4000  }
0x4a: {  	[sflag:s30] =	ssyncset.done $0x0  }
0x4b: {  	[sflag:s30] =	ssyncadd.s32 $0xFFFFC000  }
0x4c: {  	_ =	swait.ge [sflag:s31], $0x1C00  }
0x4d: {  	[sflag:s31] =	ssyncset.done $0x0  }
0x4e: {  	[sflag:s31] =	ssyncadd.s32 $0xFFFFE400  }
0x4f: {  	_ =	swait.ge [sflag:s31], $0x1C00  }
0x50: {  	[sflag:s31] =	ssyncset.done $0x0  }
0x51: {  	s15 =	simm.s32 $0x0;
	[sflag:s31] =	ssyncadd.s32 $0xFFFFE400  }
0x52: {  	[tilespmem:s29], [sflag:$0x2] =	stream.indirect.gather [hbm4b:s4+s1], $0x80, s15, s1, $0xb8;
	[tilespmem:$0x1F800] =	vst v63  }
0x53: {  	_ = 	snop  }
0x54: {  	[tilespmem:s0], [sflag:$0x3] =	stream.indirect.gather [hbm4b:s4+s1], $0x80, s1, s1, $0xb8;
	[tilespmem:$0x1F800] =	vst v63  }
0x55: {  	[bflag:$0x0] =	sbarrier.arrive $0xFFFF  }
0x56: {  	_ =	swait.ge [sflag:s5], $0x4000  }
0x57: {  	[sflag:s5] =	ssyncset.done $0x0  }
0x58: {  	s16 =	simm.s32 $0x1C00;
	[sflag:s5] =	ssyncadd.s32 $0xFFFFC000  }
0x59: {  	[spmem:s2] =	stream.indirect.scatter.add.f32 [tilespmem:s29], [sflag:$0x5], $0x80, s16, s1, $0xb8;
	[tilespmem:$0x1F800] =	vst v63  }
0x5a: {  	_ =	swait.ge [sflag:s6], $0x4000  }
0x5b: {  	[sflag:s6] =	ssyncset.done $0x0  }
0x5c: {  	s17 =	simm.s32 $0x100;
	[sflag:s6] =	ssyncadd.s32 $0xFFFFC000  }
0x5d: {  	[tilespmem:s29], [sflag:$0x2] =	stream.indirect.gather [hbm4b:s4+s1], $0x80, s17, s1, $0xb8;
	[tilespmem:$0x1F800] =	vst v63  }
0x5e: {  	_ =	swait.ge [sflag:s12], $0x4000  }
0x5f: {  	[sflag:s12] =	ssyncset.done $0x0  }
0x60: {  	s18 =	simm.s32 $0x1C80;
	[sflag:s12] =	ssyncadd.s32 $0xFFFFC000  }
0x61: {  	[spmem:s2] =	stream.indirect.scatter.add.f32 [tilespmem:s0], [sflag:$0x5], $0x80, s18, s1, $0xb8;
	[tilespmem:$0x1F800] =	vst v63  }
0x62: {  	_ =	swait.ge [sflag:s6], $0x4000  }
0x63: {  	[sflag:s6] =	ssyncset.done $0x0  }
0x64: {  	s14 =	simm.s32 $0x400;
	s15 =	simm.s32 $0x180;
	[sflag:s6] =	ssyncadd.s32 $0xFFFFC000  }
.LBB2_4:
0x65: {  	[tilespmem:s0], [sflag:$0x3] =	stream.indirect.gather [hbm4b:s4+s1], $0x80, s15, s1, $0xb8;
	[tilespmem:$0x1F800] =	vst v63  }
0x66: {  	s15 =	smov.u32 s14  }
0x67: {  	p2 =	sne.s32 s14, $0x6800;
	s14 =	sadd.s32 $0x400, s14;
	_ =	swait.ge [sflag:s5], $0x4000  }
0x68: {  	s15 =	sshra.s32 s15, $0x2;
	[sflag:s5] =	ssyncset.done $0x0  }
0x69: {  	s16 =	sadd.s32 $0x1C00, s15;
	[sflag:s5] =	ssyncadd.s32 $0xFFFFC000  }
0x6a: {  	[spmem:s2] =	stream.indirect.scatter.add.f32 [tilespmem:s29], [sflag:$0x5], $0x80, s16, s1, $0xb8;
	[tilespmem:$0x1F800] =	vst v63  }
0x6b: {  	_ =	swait.ge [sflag:s6], $0x4000  }
0x6c: {  	[sflag:s6] =	ssyncset.done $0x0  }
0x6d: {  	s16 =	sadd.s32 $0x100, s15;
	[sflag:s6] =	ssyncadd.s32 $0xFFFFC000  }
0x6e: {  	[tilespmem:s29], [sflag:$0x2] =	stream.indirect.gather [hbm4b:s4+s1], $0x80, s16, s1, $0xb8;
	[tilespmem:$0x1F800] =	vst v63  }
0x6f: {  	_ =	swait.ge [sflag:s12], $0x4000  }
0x70: {  	[sflag:s12] =	ssyncset.done $0x0  }
.Ltmp1:
0x71: {  	s16 =	sadd.s32 $0x1C80, s15;
	[sflag:s12] =	ssyncadd.s32 $0xFFFFC000;
	(pc) =	sbr.rel @p2 .LBB2_4-.Ltmp1, $4  }
0x72: {  	[spmem:s2] =	stream.indirect.scatter.add.f32 [tilespmem:s0], [sflag:$0x5], $0x80, s16, s1, $0xb8;
	[tilespmem:$0x1F800] =	vst v63  }
0x73: {  	_ =	swait.ge [sflag:s6], $0x4000  }
0x74: {  	[sflag:s6] =	ssyncset.done $0x0  }
0x75: {  	s15 =	sadd.s32 $0x180, s15;
	[sflag:s6] =	ssyncadd.s32 $0xFFFFC000  }
0x76: {  	[tilespmem:s0], [sflag:$0x3] =	stream.indirect.gather [hbm4b:s4+s1], $0x80, s15, s1, $0xb8;
	[tilespmem:$0x1F800] =	vst v63  }
0x77: {  	_ =	swait.ge [sflag:s5], $0x4000  }
0x78: {  	[sflag:s5] =	ssyncset.done $0x0  }
0x79: {  	s14 =	simm.s32 $0x3700;
	[sflag:s5] =	ssyncadd.s32 $0xFFFFC000  }
0x7a: {  	[spmem:s2] =	stream.indirect.scatter.add.f32 [tilespmem:s29], [sflag:$0x5], $0x80, s14, s1, $0xb8;
	[tilespmem:$0x1F800] =	vst v63  }
0x7b: {  	_ =	swait.ge [sflag:s6], $0x4000  }
0x7c: {  	[sflag:s6] =	ssyncset.done $0x0  }
0x7d: {  	[sflag:s6] =	ssyncadd.s32 $0xFFFFC000  }
0x7e: {  	_ =	swait.ge [sflag:s12], $0x4000  }
0x7f: {  	[sflag:s12] =	ssyncset.done $0x0  }
0x80: {  	s17 =	simm.s32 $0x3780;
	[sflag:s12] =	ssyncadd.s32 $0xFFFFC000  }
0x81: {  	[spmem:s2] =	stream.indirect.scatter.add.f32 [tilespmem:s0], [sflag:$0x5], $0x80, s17, s1, $0xb8;
	[tilespmem:$0x1F800] =	vst v63  }
0x82: {  	_ =	swait.ge [sflag:s6], $0x4000  }
0x83: {  	[sflag:s6] =	ssyncset.done $0x0  }
0x84: {  	s18 =	rddreg [dreg:$0x5];
	[sflag:s6] =	ssyncadd.s32 $0xFFFFC000  }
0x85: {  	[tilespmem:s3], [sflag:$0x1] =	stream.linear.gather [hbm4b:s18+s3], $0x800, $0x38;
	[tilespmem:$0x1F800] =	vst v63  }
0x86: {  	s15 =	rddreg [dreg:$0x6]  }
0x87: {  	[tilespmem:s28], [sflag:$0x1] =	stream.linear.gather [hbm4b:s15+s3], $0x800, $0x38;
	[tilespmem:$0x1F800] =	vst v63  }
0x88: {  	s14 =	simm.s32 @!p1 $0x0;
	s16 =	rddreg [dreg:$0x7];
	s15 =	simm.s32 @!p1 $0x800  }
0x89: {  	[tilespmem:s15], [sflag:$0x5] =	stream.linear.gather @!p1 [hbm4b:s16+s14], $0x200, $0x38;
	[tilespmem:$0x1F800] =	vst v63  }
0x8a: {  	s15 =	simm.s32 @!p1 $0x5  }
0x8b: {  	_ =	swait.ge @!p1 [sflag:s15], $0x200  }
0x8c: {  	[sflag:s15] =	ssyncset.done @!p1 $0x0  }
0x8d: {  	s16 =	simm.s32 @!p1 $0x2400;
	s17 =	rddreg [dreg:$0x8];
	[sflag:s15] =	ssyncadd.s32 @!p1 $0xFFFFFE00  }
0x8e: {  	[tilespmem:s16], [sflag:$0x5] =	stream.linear.gather @!p1 [hbm4b:s17+s14], $0x200, $0x38;
	[tilespmem:$0x1F800] =	vst v63  }
0x8f: {  	_ =	swait.ge @!p1 [sflag:s15], $0x200  }
0x90: {  	[sflag:s15] =	ssyncset.done @!p1 $0x0  }
0x91: {  	s14 =	simm.s32 @!p0 $0x0;
	[sflag:s15] =	ssyncadd.s32 @!p1 $0xFFFFFE00;
	s15 =	simm.s32 @!p0 $0x800  }
0x92: {  	[tilespmem:s15], [sflag:$0x5] =	stream.linear.gather @!p0 [hbm4b:s21+s14], $0x400, $0x38;
	[tilespmem:$0x1F800] =	vst v63  }
0x93: {  	s15 =	simm.s32 @!p0 $0x5  }
0x94: {  	_ =	swait.ge @!p0 [sflag:s15], $0x400  }
0x95: {  	[sflag:s15] =	ssyncset.done @!p0 $0x0  }
0x96: {  	s16 =	simm.s32 @!p0 $0x2400;
	[sflag:s15] =	ssyncadd.s32 @!p0 $0xFFFFFC00  }
0x97: {  	[tilespmem:s16], [sflag:$0x5] =	stream.linear.gather @!p0 [hbm4b:s22+s14], $0x400, $0x38;
	[tilespmem:$0x1F800] =	vst v63  }
0x98: {  	_ =	swait.ge @!p0 [sflag:s15], $0x400  }
0x99: {  	[sflag:s15] =	ssyncset.done @!p0 $0x0  }
0x9a: {  	[sflag:s15] =	ssyncadd.s32 @!p0 $0xFFFFFC00  }
0x9b: {  	_ =	swait.ge [sflag:s31], $0x800  }
0x9c: {  	[sflag:s31] =	ssyncset.done $0x0  }
0x9d: {  	[sflag:s31] =	ssyncadd.s32 $0xFFFFF800  }
0x9e: {  	_ =	swait.ge [sflag:s31], $0x800  }
0x9f: {  	[sflag:s31] =	ssyncset.done $0x0  }
0xa0: {  	[sflag:s31] =	ssyncadd.s32 $0xFFFFF800  }
0xa1: {  	[tilespmem:s29], [sflag:$0x2] =	stream.indirect.gather [hbm4b:s4+s1], $0x80, s3, s1, $0xb8;
	[tilespmem:$0x1F800] =	vst v63  }
0xa2: {  	_ = 	snop  }
0xa3: {  	[tilespmem:s0], [sflag:$0x3] =	stream.indirect.gather [hbm4b:s4+s1], $0x80, s1, s1, $0xb8;
	[tilespmem:$0x1F800] =	vst v63  }
0xa4: {  	_ =	swait.ge [sflag:s5], $0x4000  }
0xa5: {  	[sflag:s5] =	ssyncset.done $0x0  }
0xa6: {  	s16 =	simm.s32 $0x1C00;
	[sflag:s5] =	ssyncadd.s32 $0xFFFFC000  }
0xa7: {  	[spmem:s2] =	stream.indirect.scatter.add.f32 [tilespmem:s29], [sflag:$0x5], $0x80, s16, s1, $0xb8;
	[tilespmem:$0x1F800] =	vst v63  }
0xa8: {  	_ =	swait.ge [sflag:s6], $0x4000  }
0xa9: {  	[sflag:s6] =	ssyncset.done $0x0  }
0xaa: {  	s17 =	simm.s32 $0x100;
	[sflag:s6] =	ssyncadd.s32 $0xFFFFC000  }
0xab: {  	[tilespmem:s29], [sflag:$0x2] =	stream.indirect.gather [hbm4b:s4+s1], $0x80, s17, s1, $0xb8;
	[tilespmem:$0x1F800] =	vst v63  }
0xac: {  	_ =	swait.ge [sflag:s12], $0x4000  }
0xad: {  	p2 =	sne.s32 s23, $0x1;
	[sflag:s12] =	ssyncset.done $0x0  }
.Ltmp2:
0xae: {  	s18 =	simm.s32 $0x1C80;
	[sflag:s12] =	ssyncadd.s32 $0xFFFFC000;
	(pc) =	sbr.rel @!p2 .LBB2_7-.Ltmp2, $4  }
0xaf: {  	[spmem:s2] =	stream.indirect.scatter.add.f32 [tilespmem:s0], [sflag:$0x5], $0x80, s18, s1, $0xb8;
	[tilespmem:$0x1F800] =	vst v63  }
0xb0: {  	_ =	swait.ge [sflag:s6], $0x4000  }
0xb1: {  	s14 =	sadd.s32 $0xFFFFFFFF, s23;
	s15 =	simm.s32 $0x180;
	[sflag:s6] =	ssyncset.done $0x0  }
0xb2: {  	s16 =	simm.s32 $0x280;
	s17 =	simm.s32 $0x1D80;
	[sflag:s6] =	ssyncadd.s32 $0xFFFFC000  }
.LBB2_6:
0xb3: {  	[tilespmem:s0], [sflag:$0x3] =	stream.indirect.gather [hbm4b:s4+s1], $0x80, s15, s1, $0xb8;
	[tilespmem:$0x1F800] =	vst v63  }
0xb4: {  	p2 =	sne.s32 s14, $0x1;
	s14 =	sadd.s32 $0xFFFFFFFF, s14;
	_ =	swait.ge [sflag:s5], $0x4000  }
0xb5: {  	s15 =	smov.u32 s16;
	[sflag:s5] =	ssyncset.done $0x0  }
0xb6: {  	s18 =	sadd.s32 $0xFFFFFF80, s17;
	[sflag:s5] =	ssyncadd.s32 $0xFFFFC000  }
0xb7: {  	[spmem:s2] =	stream.indirect.scatter.add.f32 [tilespmem:s29], [sflag:$0x5], $0x80, s18, s1, $0xb8;
	[tilespmem:$0x1F800] =	vst v63  }
0xb8: {  	_ =	swait.ge [sflag:s6], $0x4000  }
0xb9: {  	[sflag:s6] =	ssyncset.done $0x0  }
0xba: {  	s18 =	sadd.s32 $0xFFFFFF80, s16;
	[sflag:s6] =	ssyncadd.s32 $0xFFFFC000  }
0xbb: {  	[tilespmem:s29], [sflag:$0x2] =	stream.indirect.gather [hbm4b:s4+s1], $0x80, s18, s1, $0xb8;
	[tilespmem:$0x1F800] =	vst v63  }
0xbc: {  	_ =	swait.ge [sflag:s12], $0x4000  }
0xbd: {  	[sflag:s12] =	ssyncset.done $0x0  }
.Ltmp3:
0xbe: {  	[sflag:s12] =	ssyncadd.s32 $0xFFFFC000;
	(pc) =	sbr.rel @p2 .LBB2_6-.Ltmp3, $4  }
0xbf: {  	[spmem:s2] =	stream.indirect.scatter.add.f32 [tilespmem:s0], [sflag:$0x5], $0x80, s17, s1, $0xb8;
	[tilespmem:$0x1F800] =	vst v63  }
0xc0: {  	_ =	swait.ge [sflag:s6], $0x4000  }
0xc1: {  	[sflag:s6] =	ssyncset.done $0x0  }
0xc2: {  	s16 =	sadd.s32 $0x100, s16;
	s17 =	sadd.s32 $0x100, s17;
	[sflag:s6] =	ssyncadd.s32 $0xFFFFC000  }
.LBB2_7:
0xc3: {  	[tilespmem:s0], [sflag:$0x3] =	stream.indirect.gather [hbm4b:s4+s1], $0x80, s15, s1, $0xb8;
	[tilespmem:$0x1F800] =	vst v63  }
0xc4: {  	_ =	swait.ge [sflag:s5], $0x4000  }
0xc5: {  	[sflag:s5] =	ssyncset.done $0x0  }
0xc6: {  	[sflag:s5] =	ssyncadd.s32 $0xFFFFC000  }
0xc7: {  	[spmem:s2] =	stream.indirect.scatter.add.f32 [tilespmem:s29], [sflag:$0x5], $0x80, s24, s1, $0xb8;
	[tilespmem:$0x1F800] =	vst v63  }
0xc8: {  	_ =	swait.ge [sflag:s6], $0x4000  }
0xc9: {  	[sflag:s6] =	ssyncset.done $0x0  }
0xca: {  	[sflag:s6] =	ssyncadd.s32 $0xFFFFC000  }
0xcb: {  	_ =	swait.ge [sflag:s12], $0x4000  }
0xcc: {  	[sflag:s12] =	ssyncset.done $0x0  }
0xcd: {  	[sflag:s12] =	ssyncadd.s32 $0xFFFFC000  }
0xce: {  	[spmem:s2] =	stream.indirect.scatter.add.f32 [tilespmem:s0], [sflag:$0x5], $0x80, s25, s1, $0xb8;
	[tilespmem:$0x1F800] =	vst v63  }
0xcf: {  	_ =	swait.ge [sflag:s6], $0x4000  }
0xd0: {  	[sflag:s6] =	ssyncset.done $0x0  }
0xd1: {  	[sflag:s6] =	ssyncadd.s32 $0xFFFFC000  }
0xd2: {  	[bflag:$0x0] =	sbarrier.arrive $0xFFFF  }
0xd3: {  	[tilespmem:s29], [sflag:$0x5] =	stream.linear.gather [spmem:s7], $0x4000, $0x38;
	[tilespmem:$0x1F800] =	vst v63  }
0xd4: {  	_ =	swait.ge [sflag:s6], $0x4000  }
0xd5: {  	[sflag:s6] =	ssyncset.done $0x0  }
0xd6: {  	s14 =	rddreg [dreg:$0x9];
	[sflag:s6] =	ssyncadd.s32 $0xFFFFC000  }
0xd7: {  	[hbm4b:s14+s3] =	stream.linear.scatter [tilespmem:s29], [sflag:$0x4], $0x4000, $0x38;
	[tilespmem:$0x1F800] =	vst v63  }
0xd8: {  	_ = 	snop  }
0xd9: {  	[tilespmem:s0], [sflag:$0x5] =	stream.linear.gather [spmem:s8], $0x4000, $0x38;
	[tilespmem:$0x1F800] =	vst v63  }
0xda: {  	_ =	swait.ge [sflag:s6], $0x4000  }
0xdb: {  	[sflag:s6] =	ssyncset.done $0x0  }
0xdc: {  	s17 =	rddreg [dreg:$0xa];
	[sflag:s6] =	ssyncadd.s32 $0xFFFFC000  }
0xdd: {  	[hbm4b:s17+s3] =	stream.linear.scatter [tilespmem:s0], [sflag:$0x4], $0x4000, $0x38;
	[tilespmem:$0x1F800] =	vst v63  }
0xde: {  	_ =	swait.ge [sflag:s30], $0x4000  }
0xdf: {  	[sflag:s30] =	ssyncset.done $0x0  }
0xe0: {  	[sflag:s30] =	ssyncadd.s32 $0xFFFFC000  }
0xe1: {  	[tilespmem:s29], [sflag:$0x5] =	stream.linear.gather [spmem:s9], $0x4000, $0x38;
	[tilespmem:$0x1F800] =	vst v63  }
0xe2: {  	_ =	swait.ge [sflag:s6], $0x4000  }
0xe3: {  	[sflag:s6] =	ssyncset.done $0x0  }
0xe4: {  	s18 =	rddreg [dreg:$0xb];
	[sflag:s6] =	ssyncadd.s32 $0xFFFFC000  }
0xe5: {  	[hbm4b:s18+s3] =	stream.linear.scatter [tilespmem:s29], [sflag:$0x4], $0x4000, $0x38;
	[tilespmem:$0x1F800] =	vst v63  }
0xe6: {  	_ =	swait.ge [sflag:s30], $0x4000  }
0xe7: {  	[sflag:s30] =	ssyncset.done $0x0  }
0xe8: {  	[sflag:s30] =	ssyncadd.s32 $0xFFFFC000  }
0xe9: {  	[tilespmem:s0], [sflag:$0x5] =	stream.linear.gather [spmem:s10], $0x4000, $0x38;
	[tilespmem:$0x1F800] =	vst v63  }
0xea: {  	_ =	swait.ge [sflag:s6], $0x4000  }
0xeb: {  	[sflag:s6] =	ssyncset.done $0x0  }
0xec: {  	[sflag:s6] =	ssyncadd.s32 $0xFFFFC000  }
0xed: {  	[hbm4b:s19+s3] =	stream.linear.scatter [tilespmem:s0], [sflag:$0x4], $0x4000, $0x38;
	[tilespmem:$0x1F800] =	vst v63  }
0xee: {  	_ =	swait.ge [sflag:s30], $0x4000  }
0xef: {  	[sflag:s30] =	ssyncset.done $0x0  }
0xf0: {  	[sflag:s30] =	ssyncadd.s32 $0xFFFFC000  }
0xf1: {  	[tilespmem:s29], [sflag:$0x5] =	stream.linear.gather [spmem:s11], $0x4000, $0x38;
	[tilespmem:$0x1F800] =	vst v63  }
0xf2: {  	_ =	swait.ge [sflag:s6], $0x4000  }
0xf3: {  	[sflag:s6] =	ssyncset.done $0x0  }
0xf4: {  	s13 =	sadd.s32 $0x1, s13;
	[sflag:s6] =	ssyncadd.s32 $0xFFFFC000  }
0xf5: {  	[hbm4b:s20+s3] =	stream.linear.scatter [tilespmem:s29], [sflag:$0x4], $0x4000, $0x38;
	[tilespmem:$0x1F800] =	vst v63  }
0xf6: {  	p2 =	sne.s32 s13, s26;
	_ =	swait.ge [sflag:s30], $0x4000  }
.Ltmp4:
0xf7: {  	[sflag:s30] =	ssyncset.done $0x0;
	(pc) =	sbr.rel @p2 .LBB2_1-.Ltmp4, $4  }
0xf8: {  	[sflag:s30] =	ssyncadd.s32 $0xFFFFC000  }
0xf9: {  	_ =	swait.ge [sflag:s30], $0x4000  }
0xfa: {  	[sflag:s30] =	ssyncset.done $0x0  }
0xfb: {  	[sflag:s30] =	ssyncadd.s32 $0xFFFFC000  }
0xfc: {  	_ =	sfence.sel $0x180000  }
0xfd: {  	[bflag:$0x0] =	sbarrier.arrive $0xFFFF  }
0xfe: {  	_ =	strace $0x9000004A  }
0xff: {  	s0 =	stileid.u32;
	[bflag:$0x2] =	sbarrier.arrive $0xFFFF  }
0x100: {  	p0 =	sne.s32 s0, $0x0;
	s0 =	rddreg [dreg:$0x2]  }
0x101: {  	s0 =	sadd.s32 @!p0 $0x100000, s0  }
0x102: {  	[sflag:s0] =	ssyncadd.tile.s32 @!p0 $0x1;
	_ =	shalt  }
.Lfunc_end2:
_tile_overlayer_lowered:
.L_overlay_start_2:
0x103: {  	(tag) =	ssettag $0x2  }
0x104: {  	s0 =	rddreg [dreg:$0x0];
	s2 =	stileid.u32  }
0x105: {  	s1 =	rddreg [dreg:$0x1];
	p0 =	sne.s32 s2, $0x0  }
0x106: {  	s3 =	rddreg [dreg:$0x2];
	[bflag:$0x3] =	sbarrier.arrive $0xFFFF;
	s2 =	simm.s32 @!p0 $0x1C05  }
0x107: {  	[timem:s3], [sflag:s2] =	dma.local @!p0 [hbm:s0], s1  }
0x108: {  	s0 =	simm.s32 @!p0 $0x5  }
0x109: {  	_ =	swait.ge @!p0 [sflag:s0], s1  }
0x10a: {  	s1 =	ssub.s32 @!p0 $0x0, s1;
	[sflag:s0] =	ssyncset.done @!p0 $0x0  }
0x10b: {  	[sflag:s0] =	ssyncadd.s32 @!p0 s1  }
0x10c: {  	[bflag:$0x3] =	sbarrier.arrive $0xFFFF  }
0x10d: {  	_ =	shalt  }

</sc_bundles>
